<compile_context>
chip_gen: v7x
topology: tpu7x:2x2x1
jax: 0.10.2.dev20260603
libtpu: 0.0.44.dev20260713+nightly
codegen_flags: <defaults>
</compile_context>

<pallas_src>
import functools

import numpy as np

import jax
import jax.numpy as jnp
from jax import lax
from jax.experimental import pallas as pl
from jax.experimental.pallas import tpu as pltpu
from jax.experimental.pallas import tpu_sc as plsc

N_BINS = 15
N = 1048576
L = 16
NC, NS = 2, 16
NW = NC * NS
CHUNK = N // NW
BLK = 16384
NB = CHUNK // BLK
VECS = BLK // L
PROW = 48

_mesh = plsc.VectorSubcoreMesh(
    core_axis_name="c", subcore_axis_name="s", num_cores=NC, num_subcores=NS
)
_params = pltpu.CompilerParams(needs_layout_passes=False)


@functools.partial(
    pl.kernel,
    out_type=(
        jax.ShapeDtypeStruct((NC * PROW,), jnp.float32),
        jax.ShapeDtypeStruct((L,), jnp.float32),
    ),
    mesh=_mesh,
    compiler_params=_params,
    scratch_types=[
        pltpu.VMEM((2, BLK), jnp.int32),
        pltpu.VMEM((2, BLK), jnp.float32),
        pltpu.VMEM((2, BLK), jnp.int32),
        pltpu.VMEM((L,), jnp.float32),
        pltpu.VMEM((L * L,), jnp.float32),
        pltpu.VMEM((L * L,), jnp.float32),
        pltpu.VMEM((PROW,), jnp.float32),
        pltpu.VMEM_SHARED((NS * PROW,), jnp.float32),
        pltpu.VMEM((NS * PROW,), jnp.float32),
        pltpu.VMEM((PROW,), jnp.float32),
        pltpu.VMEM((L,), jnp.float32),
        pltpu.SemaphoreType.DMA,
        pltpu.SemaphoreType.DMA,
        pltpu.SemaphoreType.REGULAR,
    ],
)
def _ece_hist_kernel(yhs_hbm, phs_hbm, ys_hbm, bounds_hbm,
                     rows_hbm, ece_hbm,
                     yv, pv, vv, btab, cc, cnf, row,
                     board, boardv, other, outv, sem0, sem1, xsem):
    cidx = lax.axis_index("c")
    sidx = lax.axis_index("s")
    wid = cidx * NS + sidx
    sems = [sem0, sem1]

    pltpu.sync_copy(bounds_hbm, btab)
    bvec = btab[...]

    pending = []
    for b in range(NB):
        base = wid * CHUNK + b * BLK
        sem = sems[b]
        pending.append([
            pltpu.async_copy(yhs_hbm.at[pl.ds(base, BLK)], yv.at[b], sem),
            pltpu.async_copy(phs_hbm.at[pl.ds(base, BLK)], pv.at[b], sem),
            pltpu.async_copy(ys_hbm.at[pl.ds(base, BLK)], vv.at[b], sem),
        ])

    zeros = jnp.zeros((L,), jnp.float32)

    def zero_bin(v, carry):
        cc[pl.ds(v * L, L)] = zeros
        cnf[pl.ds(v * L, L)] = zeros
        return carry

    lax.fori_loop(0, N_BINS, zero_bin, 0)

    lane = lax.iota(jnp.int32, L)

    for b in range(NB):
        for h in pending[b]:
            h.wait()
        s = b

        @plsc.parallel_loop(0, VECS, unroll=6)
        def _(i):
            off = i * L
            p = pv[s, pl.ds(off, L)]
            yh = yv[s, pl.ds(off, L)]
            yy = vv[s, pl.ds(off, L)]
            t2 = p * jnp.float32(N_BINS) + jnp.float32(0.5)
            j1 = t2.astype(jnp.int32)
            b1 = jnp.take_along_axis(bvec, j1, axis=0)
            j = j1 - (p <= b1).astype(jnp.int32)
            valid = p > jnp.float32(0.0)
            idx = j * L + lane
            packed = jnp.where(yh == yy, jnp.float32(4097.0), jnp.float32(4096.0))
            plsc.addupdate_scatter(cc, [idx], packed, mask=valid)
            plsc.addupdate_scatter(cnf, [idx], p, mask=valid)

    inv_k = jnp.float32(1.0 / 4096.0)
    kf = jnp.float32(4096.0)

    def fold_bin(j, carry):
        cnt_vec, cor_vec, cnf_vec = carry
        sel = lane == j
        s_cc = cc[pl.ds(j * L, L)]
        c_slot = (s_cc * inv_k).astype(jnp.int32).astype(jnp.float32)
        r_slot = s_cc - kf * c_slot
        cj = jnp.sum(c_slot)
        aj = jnp.sum(r_slot)
        fj = jnp.sum(cnf[pl.ds(j * L, L)])
        cnt_vec = jnp.where(sel, jnp.broadcast_to(cj, (L,)), cnt_vec)
        cor_vec = jnp.where(sel, jnp.broadcast_to(aj, (L,)), cor_vec)
        cnf_vec = jnp.where(sel, jnp.broadcast_to(fj, (L,)), cnf_vec)
        return (cnt_vec, cor_vec, cnf_vec)

    cnt_vec, cor_vec, cnf_vec = lax.fori_loop(
        0, N_BINS, fold_bin, (zeros, zeros, zeros)
    )
    row[pl.ds(0, L)] = cnt_vec
    row[pl.ds(L, L)] = cor_vec
    row[pl.ds(2 * L, L)] = cnf_vec

    pltpu.sync_copy(row, board.at[pl.ds(sidx * PROW, PROW)])
    plsc.subcore_barrier()

    @pl.when(sidx == 0)
    def _():
        pltpu.sync_copy(board, boardv)

        def add_tile(t, carry):
            c, a, f = carry
            o = t * PROW
            return (c + boardv[pl.ds(o, L)],
                    a + boardv[pl.ds(o + L, L)],
                    f + boardv[pl.ds(o + 2 * L, L)])

        c_sum, a_sum, f_sum = lax.fori_loop(
            0, NS, add_tile, (zeros, zeros, zeros)
        )
        row[pl.ds(0, L)] = c_sum
        row[pl.ds(L, L)] = a_sum
        row[pl.ds(2 * L, L)] = f_sum
        pltpu.sync_copy(row, rows_hbm.at[pl.ds(cidx * PROW, PROW)])
        pl.semaphore_signal(xsem, 1, device_id={"c": 1 - cidx, "s": 0})
        pl.semaphore_wait(xsem, 1)
        pltpu.sync_copy(rows_hbm.at[pl.ds((1 - cidx) * PROW, PROW)], other)

        counts_v = c_sum + other[pl.ds(0, L)]
        acc_v = a_sum + other[pl.ds(L, L)]
        conf_v = f_sum + other[pl.ds(2 * L, L)]
        ones = jnp.ones((L,), jnp.float32)
        ind = counts_v > jnp.float32(0.0)
        safe = jnp.where(ind, counts_v, ones)
        mean_acc = jnp.where(ind, acc_v / safe, acc_v)
        mean_conf = jnp.where(ind, conf_v / safe, conf_v)
        num = jnp.sum(counts_v * jnp.abs(mean_acc - mean_conf))
        tot = jnp.sum(counts_v)
        outv[...] = jnp.broadcast_to(num, (L,)) / jnp.broadcast_to(tot, (L,))

        @pl.when(cidx == 0)
        def _():
            pltpu.sync_copy(outv, ece_hbm)


_BOUNDS = np.arange(N_BINS + 1, dtype=np.float32) * (
    np.float32(1.0) / np.float32(N_BINS)
)
_BOUNDS[N_BINS] = np.float32(1.0)


@jax.jit
def kernel(yhs, phs, ys):
    bounds = jnp.asarray(_BOUNDS)
    _, ece_vec = _ece_hist_kernel(yhs, phs, ys, bounds)
    return ece_vec[0]

# --- scband reference (transcript-rebuilt; emitter-appended) ---
"""Pipeline reference for scband-calibration-error-82179904242346 (READ-ONLY COPY).

The authoritative reference and input builder live on the scoring server;
editing this copy changes nothing except your own understanding.
"""

import jax, jax.numpy as jnp
import numpy as np

N_BINS = 15
N = 1048576

def setup_inputs(seed: int = 0) -> dict:
    key = jax.random.key(seed)
    k1, k2, k3 = jax.random.split(key, 3)
    yhs = jax.random.randint(k1, (N,), 0, 1000, dtype=jnp.int64) if jax.config.jax_enable_x64 else jax.random.randint(k1, (N,), 0, 1000).astype(jnp.int32)
    phs = jax.random.uniform(k2, (N,), dtype=jnp.float32)
    ys = jax.random.randint(k3, (N,), 0, 1000, dtype=jnp.int64) if jax.config.jax_enable_x64 else jax.random.randint(k3, (N,), 0, 1000).astype(jnp.int32)
    return {"yhs": yhs, "phs": phs, "ys": ys}

def reference(yhs, phs, ys):
    # get_acc_conf_mat: histogram samples into N_BINS confidence bins,
    # accumulating (count, correct_sum, conf_sum) per bin; then ECEmat2ECE.
    bounds = jnp.linspace(0.0, 1.0, N_BINS + 1)
    lowers = bounds[:-1]
    uppers = bounds[1:]
    accs = (yhs == ys).astype(jnp.float32)
    confs = phs
    # in_bin: [N_BINS, N] boolean mask, same semantics as (confs > lower) & (confs <= upper)
    in_bin = (confs[None, :] > lowers[:, None]) & (confs[None, :] <= uppers[:, None])
    in_f = in_bin.astype(jnp.float32)
    counts = in_f.sum(axis=1)                      # acc_conf_mat[:, 0]
    acc_sums = (in_f * accs[None, :]).sum(axis=1)  # acc_conf_mat[:, 1]
    conf_sums = (in_f * confs[None, :]).sum(axis=1)  # acc_conf_mat[:, 2]
    # ECEmat2ECE
    ind = counts > 0
    safe_counts = jnp.where(ind, counts, 1.0)
    mean_acc = jnp.where(ind, acc_sums / safe_counts, acc_sums)
    mean_conf = jnp.where(ind, conf_sums / safe_counts, conf_sums)
    props = counts / counts.sum()
    ECE = (props * jnp.abs(mean_acc - mean_conf)).sum()
    return ECE

if __name__ == "__main__":
    import jax
    _d = setup_inputs()
    print(jax.jit(kernel)(*tuple(_d.values())))

</pallas_src>

<mosaic_0001>
#map = affine_map<(d0, d1) -> (0)>
module attributes {stable_mosaic.version = 14 : i64} {
  func.func @_ece_hist_kernel(%arg0: i32, %arg1: i32, %arg2: memref<1048576xi32, #tpu.memory_space<hbm>>, %arg3: memref<1048576xf32, #tpu.memory_space<hbm>>, %arg4: memref<1048576xi32, #tpu.memory_space<hbm>>, %arg5: memref<16xf32, #tpu.memory_space<hbm>>, %arg6: memref<96xf32, #tpu.memory_space<hbm>>, %arg7: memref<16xf32, #tpu.memory_space<hbm>>, %arg8: memref<2x16384xi32, #tpu.memory_space<vmem>>, %arg9: memref<2x16384xf32, #tpu.memory_space<vmem>>, %arg10: memref<2x16384xi32, #tpu.memory_space<vmem>>, %arg11: memref<16xf32, #tpu.memory_space<vmem>>, %arg12: memref<256xf32, #tpu.memory_space<vmem>>, %arg13: memref<256xf32, #tpu.memory_space<vmem>>, %arg14: memref<48xf32, #tpu.memory_space<vmem>>, %arg15: memref<768xf32, #tpu.memory_space<vmem_shared>>, %arg16: memref<768xf32, #tpu.memory_space<vmem>>, %arg17: memref<48xf32, #tpu.memory_space<vmem>>, %arg18: memref<16xf32, #tpu.memory_space<vmem>>, %arg19: memref<!tpu.dma_semaphore, #tpu.memory_space<semaphore_mem>>, %arg20: memref<!tpu.dma_semaphore, #tpu.memory_space<semaphore_mem>>, %arg21: memref<!tpu.semaphore, #tpu.memory_space<semaphore_mem>>) attributes {dimension_semantics = [#tpu.dimension_semantics<core_parallel>, #tpu.dimension_semantics<subcore_parallel>], iteration_bounds = array<i64: 2, 16>, scalar_prefetch = 0 : i64, scratch_operands = 14 : i64, tpu.core_type = #tpu.core_type<sc_vector_subcore>, window_params = [{transform_indices = #map}, {transform_indices = #map}, {transform_indices = #map}, {transform_indices = #map}, {transform_indices = #map}, {transform_indices = #map}]} {
    %mul3A = arith.constant 16 : i32
    %mul3A_0 = arith.muli %arg0, %mul3A : i32
    %add3A = arith.addi %mul3A_0, %arg1 : i32
    "tpu.region"() ({
      %run_scoped3A = tpu.sem_alloc : memref<!tpu.dma_semaphore, #tpu.memory_space<semaphore_mem>>
      tpu.enqueue_dma source(%arg5 : memref<16xf32, #tpu.memory_space<hbm>>) target(%arg11 : memref<16xf32, #tpu.memory_space<vmem>>) target_semaphore(%run_scoped3A : memref<!tpu.dma_semaphore, #tpu.memory_space<semaphore_mem>>)
      tpu.wait_dma2 semaphore(%run_scoped3A : memref<!tpu.dma_semaphore, #tpu.memory_space<semaphore_mem>>) src(%arg5 : memref<16xf32, #tpu.memory_space<hbm>>) dst(%arg11 : memref<16xf32, #tpu.memory_space<vmem>>)
      tpu.yield
    }) : () -> ()
    %get3A = arith.constant 0 : index
    %get3A_1 = tpu.vector_load %arg11[%get3A] {strides = array<i32>} : memref<16xf32, #tpu.memory_space<vmem>>, vector<16xf32>,
    %mul3A_2 = arith.constant 32768 : i32
    %mul3A_3 = arith.muli %add3A, %mul3A_2 : i32
    %add3A_4 = arith.constant 0 : i32
    %add3A_5 = arith.addi %mul3A_3, %add3A_4 : i32
    %dma_start3A = arith.constant 0 : i32
    %dma_start3A_6 = arith.constant 0 : i32
    %dma_start3A_7 = tpu.memref_slice %arg8[%dma_start3A, %dma_start3A_6] : memref<2x16384xi32, #tpu.memory_space<vmem>> -> memref<1x16384xi32, #tpu.memory_space<vmem>>
    %dma_start3A_8 = tpu.memref_squeeze %dma_start3A_7 : memref<1x16384xi32, #tpu.memory_space<vmem>> -> memref<16384xi32, #tpu.memory_space<vmem>>
    %dma_start3A_9 = tpu.memref_slice %arg2[%add3A_5] : memref<1048576xi32, #tpu.memory_space<hbm>> -> memref<16384xi32, #tpu.memory_space<hbm>>
    %dma_start3A_10 = arith.constant 0 : i32
    %dma_start3A_11 = tpu.memref_slice %arg8[%dma_start3A, %dma_start3A_10] : memref<2x16384xi32, #tpu.memory_space<vmem>> -> memref<1x16384xi32, #tpu.memory_space<vmem>>
    %dma_start3A_12 = tpu.memref_squeeze %dma_start3A_11 : memref<1x16384xi32, #tpu.memory_space<vmem>> -> memref<16384xi32, #tpu.memory_space<vmem>>
    %dma_start3A_13 = tpu.memref_slice %arg2[%add3A_5] : memref<1048576xi32, #tpu.memory_space<hbm>> -> memref<16384xi32, #tpu.memory_space<hbm>>
    tpu.enqueue_dma source(%dma_start3A_13 : memref<16384xi32, #tpu.memory_space<hbm>>) target(%dma_start3A_12 : memref<16384xi32, #tpu.memory_space<vmem>>) target_semaphore(%arg19 : memref<!tpu.dma_semaphore, #tpu.memory_space<semaphore_mem>>)
    %dma_start3A_14 = arith.constant 0 : i32
    %dma_start3A_15 = arith.constant 0 : i32
    %dma_start3A_16 = tpu.memref_slice %arg9[%dma_start3A_14, %dma_start3A_15] : memref<2x16384xf32, #tpu.memory_space<vmem>> -> memref<1x16384xf32, #tpu.memory_space<vmem>>
    %dma_start3A_17 = tpu.memref_squeeze %dma_start3A_16 : memref<1x16384xf32, #tpu.memory_space<vmem>> -> memref<16384xf32, #tpu.memory_space<vmem>>
    %dma_start3A_18 = tpu.memref_slice %arg3[%add3A_5] : memref<1048576xf32, #tpu.memory_space<hbm>> -> memref<16384xf32, #tpu.memory_space<hbm>>
    %dma_start3A_19 = arith.constant 0 : i32
    %dma_start3A_20 = tpu.memref_slice %arg9[%dma_start3A_14, %dma_start3A_19] : memref<2x16384xf32, #tpu.memory_space<vmem>> -> memref<1x16384xf32, #tpu.memory_space<vmem>>
    %dma_start3A_21 = tpu.memref_squeeze %dma_start3A_20 : memref<1x16384xf32, #tpu.memory_space<vmem>> -> memref<16384xf32, #tpu.memory_space<vmem>>
    %dma_start3A_22 = tpu.memref_slice %arg3[%add3A_5] : memref<1048576xf32, #tpu.memory_space<hbm>> -> memref<16384xf32, #tpu.memory_space<hbm>>
    tpu.enqueue_dma source(%dma_start3A_22 : memref<16384xf32, #tpu.memory_space<hbm>>) target(%dma_start3A_21 : memref<16384xf32, #tpu.memory_space<vmem>>) target_semaphore(%arg19 : memref<!tpu.dma_semaphore, #tpu.memory_space<semaphore_mem>>)
    %dma_start3A_23 = arith.constant 0 : i32
    %dma_start3A_24 = arith.constant 0 : i32
    %dma_start3A_25 = tpu.memref_slice %arg10[%dma_start3A_23, %dma_start3A_24] : memref<2x16384xi32, #tpu.memory_space<vmem>> -> memref<1x16384xi32, #tpu.memory_space<vmem>>
    %dma_start3A_26 = tpu.memref_squeeze %dma_start3A_25 : memref<1x16384xi32, #tpu.memory_space<vmem>> -> memref<16384xi32, #tpu.memory_space<vmem>>
    %dma_start3A_27 = tpu.memref_slice %arg4[%add3A_5] : memref<1048576xi32, #tpu.memory_space<hbm>> -> memref<16384xi32, #tpu.memory_space<hbm>>
    %dma_start3A_28 = arith.constant 0 : i32
    %dma_start3A_29 = tpu.memref_slice %arg10[%dma_start3A_23, %dma_start3A_28] : memref<2x16384xi32, #tpu.memory_space<vmem>> -> memref<1x16384xi32, #tpu.memory_space<vmem>>
    %dma_start3A_30 = tpu.memref_squeeze %dma_start3A_29 : memref<1x16384xi32, #tpu.memory_space<vmem>> -> memref<16384xi32, #tpu.memory_space<vmem>>
    %dma_start3A_31 = tpu.memref_slice %arg4[%add3A_5] : memref<1048576xi32, #tpu.memory_space<hbm>> -> memref<16384xi32, #tpu.memory_space<hbm>>
    tpu.enqueue_dma source(%dma_start3A_31 : memref<16384xi32, #tpu.memory_space<hbm>>) target(%dma_start3A_30 : memref<16384xi32, #tpu.memory_space<vmem>>) target_semaphore(%arg19 : memref<!tpu.dma_semaphore, #tpu.memory_space<semaphore_mem>>)
    %mul3A_32 = arith.constant 32768 : i32
    %mul3A_33 = arith.muli %add3A, %mul3A_32 : i32
    %add3A_34 = arith.constant 16384 : i32
    %add3A_35 = arith.addi %mul3A_33, %add3A_34 : i32
    %dma_start3A_36 = arith.constant 1 : i32
    %dma_start3A_37 = arith.constant 0 : i32
    %dma_start3A_38 = tpu.memref_slice %arg8[%dma_start3A_36, %dma_start3A_37] : memref<2x16384xi32, #tpu.memory_space<vmem>> -> memref<1x16384xi32, #tpu.memory_space<vmem>>
    %dma_start3A_39 = tpu.memref_squeeze %dma_start3A_38 : memref<1x16384xi32, #tpu.memory_space<vmem>> -> memref<16384xi32, #tpu.memory_space<vmem>>
    %dma_start3A_40 = tpu.memref_slice %arg2[%add3A_35] : memref<1048576xi32, #tpu.memory_space<hbm>> -> memref<16384xi32, #tpu.memory_space<hbm>>
    %dma_start3A_41 = arith.constant 0 : i32
    %dma_start3A_42 = tpu.memref_slice %arg8[%dma_start3A_36, %dma_start3A_41] : memref<2x16384xi32, #tpu.memory_space<vmem>> -> memref<1x16384xi32, #tpu.memory_space<vmem>>
    %dma_start3A_43 = tpu.memref_squeeze %dma_start3A_42 : memref<1x16384xi32, #tpu.memory_space<vmem>> -> memref<16384xi32, #tpu.memory_space<vmem>>
    %dma_start3A_44 = tpu.memref_slice %arg2[%add3A_35] : memref<1048576xi32, #tpu.memory_space<hbm>> -> memref<16384xi32, #tpu.memory_space<hbm>>
    tpu.enqueue_dma source(%dma_start3A_44 : memref<16384xi32, #tpu.memory_space<hbm>>) target(%dma_start3A_43 : memref<16384xi32, #tpu.memory_space<vmem>>) target_semaphore(%arg20 : memref<!tpu.dma_semaphore, #tpu.memory_space<semaphore_mem>>)
    %dma_start3A_45 = arith.constant 1 : i32
    %dma_start3A_46 = arith.constant 0 : i32
    %dma_start3A_47 = tpu.memref_slice %arg9[%dma_start3A_45, %dma_start3A_46] : memref<2x16384xf32, #tpu.memory_space<vmem>> -> memref<1x16384xf32, #tpu.memory_space<vmem>>
    %dma_start3A_48 = tpu.memref_squeeze %dma_start3A_47 : memref<1x16384xf32, #tpu.memory_space<vmem>> -> memref<16384xf32, #tpu.memory_space<vmem>>
    %dma_start3A_49 = tpu.memref_slice %arg3[%add3A_35] : memref<1048576xf32, #tpu.memory_space<hbm>> -> memref<16384xf32, #tpu.memory_space<hbm>>
    %dma_start3A_50 = arith.constant 0 : i32
    %dma_start3A_51 = tpu.memref_slice %arg9[%dma_start3A_45, %dma_start3A_50] : memref<2x16384xf32, #tpu.memory_space<vmem>> -> memref<1x16384xf32, #tpu.memory_space<vmem>>
    %dma_start3A_52 = tpu.memref_squeeze %dma_start3A_51 : memref<1x16384xf32, #tpu.memory_space<vmem>> -> memref<16384xf32, #tpu.memory_space<vmem>>
    %dma_start3A_53 = tpu.memref_slice %arg3[%add3A_35] : memref<1048576xf32, #tpu.memory_space<hbm>> -> memref<16384xf32, #tpu.memory_space<hbm>>
    tpu.enqueue_dma source(%dma_start3A_53 : memref<16384xf32, #tpu.memory_space<hbm>>) target(%dma_start3A_52 : memref<16384xf32, #tpu.memory_space<vmem>>) target_semaphore(%arg20 : memref<!tpu.dma_semaphore, #tpu.memory_space<semaphore_mem>>)
    %dma_start3A_54 = arith.constant 1 : i32
    %dma_start3A_55 = arith.constant 0 : i32
    %dma_start3A_56 = tpu.memref_slice %arg10[%dma_start3A_54, %dma_start3A_55] : memref<2x16384xi32, #tpu.memory_space<vmem>> -> memref<1x16384xi32, #tpu.memory_space<vmem>>
    %dma_start3A_57 = tpu.memref_squeeze %dma_start3A_56 : memref<1x16384xi32, #tpu.memory_space<vmem>> -> memref<16384xi32, #tpu.memory_space<vmem>>
    %dma_start3A_58 = tpu.memref_slice %arg4[%add3A_35] : memref<1048576xi32, #tpu.memory_space<hbm>> -> memref<16384xi32, #tpu.memory_space<hbm>>
    %dma_start3A_59 = arith.constant 0 : i32
    %dma_start3A_60 = tpu.memref_slice %arg10[%dma_start3A_54, %dma_start3A_59] : memref<2x16384xi32, #tpu.memory_space<vmem>> -> memref<1x16384xi32, #tpu.memory_space<vmem>>
    %dma_start3A_61 = tpu.memref_squeeze %dma_start3A_60 : memref<1x16384xi32, #tpu.memory_space<vmem>> -> memref<16384xi32, #tpu.memory_space<vmem>>
    %dma_start3A_62 = tpu.memref_slice %arg4[%add3A_35] : memref<1048576xi32, #tpu.memory_space<hbm>> -> memref<16384xi32, #tpu.memory_space<hbm>>
    tpu.enqueue_dma source(%dma_start3A_62 : memref<16384xi32, #tpu.memory_space<hbm>>) target(%dma_start3A_61 : memref<16384xi32, #tpu.memory_space<vmem>>) target_semaphore(%arg20 : memref<!tpu.dma_semaphore, #tpu.memory_space<semaphore_mem>>)
    %broadcast_in_dim3A = arith.constant 0.000000e+00 : f32
    %broadcast_in_dim3A_63 = vector.broadcast %broadcast_in_dim3A : f32 to vector<16xf32>
    %scan3A = arith.constant 0 : i32
    %scan3A_64 = arith.constant 0 : i32
    %scan3A_65 = arith.constant 15 : i32
    %scan3A_66 = arith.addi %scan3A_64, %scan3A_65 : i32
    %scan3A_67 = arith.constant 1 : i32
    scf.for %scan3A_144 = %scan3A_64 to %scan3A_66 step %scan3A_67  : i32 {
      %mul3A_145 = arith.constant 16 : i32
      %mul3A_146 = arith.muli %scan3A_144, %mul3A_145 : i32
      %swap3A_147 = arith.index_cast %mul3A_146 : i32 to index
      %swap3A_148 = tpu.vector_load %arg12[%swap3A_147] {strides = array<i32>} : memref<256xf32, #tpu.memory_space<vmem>>, vector<16xf32>,
      tpu.vector_store %arg12[%swap3A_147], %broadcast_in_dim3A_63 {strides = array<i32>} : memref<256xf32, #tpu.memory_space<vmem>>, vector<16xf32>,
      %mul3A_149 = arith.constant 16 : i32
      %mul3A_150 = arith.muli %scan3A_144, %mul3A_149 : i32
      %swap3A_151 = arith.index_cast %mul3A_150 : i32 to index
      %swap3A_152 = tpu.vector_load %arg13[%swap3A_151] {strides = array<i32>} : memref<256xf32, #tpu.memory_space<vmem>>, vector<16xf32>,
      tpu.vector_store %arg13[%swap3A_151], %broadcast_in_dim3A_63 {strides = array<i32>} : memref<256xf32, #tpu.memory_space<vmem>>, vector<16xf32>,
    }
    %scan3A_68 = arith.constant 15 : i32
    %iota3A = tpu.iota {dimensions = array<i32: 0>} : vector<16xi32>
    %dma_wait3A = arith.constant 0 : i32
    %dma_wait3A_69 = arith.constant 0 : i32
    %dma_wait3A_70 = tpu.memref_slice %arg8[%dma_wait3A, %dma_wait3A_69] : memref<2x16384xi32, #tpu.memory_space<vmem>> -> memref<1x16384xi32, #tpu.memory_space<vmem>>
    %dma_wait3A_71 = tpu.memref_squeeze %dma_wait3A_70 : memref<1x16384xi32, #tpu.memory_space<vmem>> -> memref<16384xi32, #tpu.memory_space<vmem>>
    %dma_wait3A_72 = tpu.memref_slice %arg2[%add3A_5] : memref<1048576xi32, #tpu.memory_space<hbm>> -> memref<16384xi32, #tpu.memory_space<hbm>>
    %dma_wait3A_73 = arith.constant 0 : i32
    %dma_wait3A_74 = tpu.memref_slice %arg8[%dma_wait3A, %dma_wait3A_73] : memref<2x16384xi32, #tpu.memory_space<vmem>> -> memref<1x16384xi32, #tpu.memory_space<vmem>>
    %dma_wait3A_75 = tpu.memref_squeeze %dma_wait3A_74 : memref<1x16384xi32, #tpu.memory_space<vmem>> -> memref<16384xi32, #tpu.memory_space<vmem>>
    %dma_wait3A_76 = tpu.memref_slice %arg2[%add3A_5] : memref<1048576xi32, #tpu.memory_space<hbm>> -> memref<16384xi32, #tpu.memory_space<hbm>>
    tpu.wait_dma2 semaphore(%arg19 : memref<!tpu.dma_semaphore, #tpu.memory_space<semaphore_mem>>) src(%dma_wait3A_76 : memref<16384xi32, #tpu.memory_space<hbm>>) dst(%dma_wait3A_75 : memref<16384xi32, #tpu.memory_space<vmem>>)
    %dma_wait3A_77 = arith.constant 0 : i32
    %dma_wait3A_78 = arith.constant 0 : i32
    %dma_wait3A_79 = tpu.memref_slice %arg9[%dma_wait3A_77, %dma_wait3A_78] : memref<2x16384xf32, #tpu.memory_space<vmem>> -> memref<1x16384xf32, #tpu.memory_space<vmem>>
    %dma_wait3A_80 = tpu.memref_squeeze %dma_wait3A_79 : memref<1x16384xf32, #tpu.memory_space<vmem>> -> memref<16384xf32, #tpu.memory_space<vmem>>
    %dma_wait3A_81 = tpu.memref_slice %arg3[%add3A_5] : memref<1048576xf32, #tpu.memory_space<hbm>> -> memref<16384xf32, #tpu.memory_space<hbm>>
    %dma_wait3A_82 = arith.constant 0 : i32
    %dma_wait3A_83 = tpu.memref_slice %arg9[%dma_wait3A_77, %dma_wait3A_82] : memref<2x16384xf32, #tpu.memory_space<vmem>> -> memref<1x16384xf32, #tpu.memory_space<vmem>>
    %dma_wait3A_84 = tpu.memref_squeeze %dma_wait3A_83 : memref<1x16384xf32, #tpu.memory_space<vmem>> -> memref<16384xf32, #tpu.memory_space<vmem>>
    %dma_wait3A_85 = tpu.memref_slice %arg3[%add3A_5] : memref<1048576xf32, #tpu.memory_space<hbm>> -> memref<16384xf32, #tpu.memory_space<hbm>>
    tpu.wait_dma2 semaphore(%arg19 : memref<!tpu.dma_semaphore, #tpu.memory_space<semaphore_mem>>) src(%dma_wait3A_85 : memref<16384xf32, #tpu.memory_space<hbm>>) dst(%dma_wait3A_84 : memref<16384xf32, #tpu.memory_space<vmem>>)
    %dma_wait3A_86 = arith.constant 0 : i32
    %dma_wait3A_87 = arith.constant 0 : i32
    %dma_wait3A_88 = tpu.memref_slice %arg10[%dma_wait3A_86, %dma_wait3A_87] : memref<2x16384xi32, #tpu.memory_space<vmem>> -> memref<1x16384xi32, #tpu.memory_space<vmem>>
    %dma_wait3A_89 = tpu.memref_squeeze %dma_wait3A_88 : memref<1x16384xi32, #tpu.memory_space<vmem>> -> memref<16384xi32, #tpu.memory_space<vmem>>
    %dma_wait3A_90 = tpu.memref_slice %arg4[%add3A_5] : memref<1048576xi32, #tpu.memory_space<hbm>> -> memref<16384xi32, #tpu.memory_space<hbm>>
    %dma_wait3A_91 = arith.constant 0 : i32
    %dma_wait3A_92 = tpu.memref_slice %arg10[%dma_wait3A_86, %dma_wait3A_91] : memref<2x16384xi32, #tpu.memory_space<vmem>> -> memref<1x16384xi32, #tpu.memory_space<vmem>>
    %dma_wait3A_93 = tpu.memref_squeeze %dma_wait3A_92 : memref<1x16384xi32, #tpu.memory_space<vmem>> -> memref<16384xi32, #tpu.memory_space<vmem>>
    %dma_wait3A_94 = tpu.memref_slice %arg4[%add3A_5] : memref<1048576xi32, #tpu.memory_space<hbm>> -> memref<16384xi32, #tpu.memory_space<hbm>>
    tpu.wait_dma2 semaphore(%arg19 : memref<!tpu.dma_semaphore, #tpu.memory_space<semaphore_mem>>) src(%dma_wait3A_94 : memref<16384xi32, #tpu.memory_space<hbm>>) dst(%dma_wait3A_93 : memref<16384xi32, #tpu.memory_space<vmem>>)
    %parallel_loop3A = arith.constant 0 : i32
    %parallel_loop3A_95 = arith.constant 1024 : i32
    %parallel_loop3A_96 = arith.constant 1 : i32
    scf.for %parallel_loop3A_144 = %parallel_loop3A to %parallel_loop3A_95 step %parallel_loop3A_96  : i32 {
      %parallel_loop3A_145 = arith.constant 16 : i32
      %parallel_loop3A_146 = arith.muli %parallel_loop3A_144, %parallel_loop3A_145 : i32
      %parallel_loop3A_147 = arith.constant 0 : i32
      %parallel_loop3A_148 = arith.index_cast %parallel_loop3A_147 : i32 to index
      %parallel_loop3A_149 = arith.index_cast %parallel_loop3A_146 : i32 to index
      %parallel_loop3A_150 = tpu.vector_load %arg9[%parallel_loop3A_148, %parallel_loop3A_149] {strides = array<i32>} : memref<2x16384xf32, #tpu.memory_space<vmem>>, vector<16xf32>,
      %parallel_loop3A_151 = arith.constant 0 : i32
      %parallel_loop3A_152 = arith.index_cast %parallel_loop3A_151 : i32 to index
      %parallel_loop3A_153 = arith.index_cast %parallel_loop3A_146 : i32 to index
      %parallel_loop3A_154 = tpu.vector_load %arg8[%parallel_loop3A_152, %parallel_loop3A_153] {strides = array<i32>} : memref<2x16384xi32, #tpu.memory_space<vmem>>, vector<16xi32>,
      %parallel_loop3A_155 = arith.constant 0 : i32
      %parallel_loop3A_156 = arith.index_cast %parallel_loop3A_155 : i32 to index
      %parallel_loop3A_157 = arith.index_cast %parallel_loop3A_146 : i32 to index
      %parallel_loop3A_158 = tpu.vector_load %arg10[%parallel_loop3A_156, %parallel_loop3A_157] {strides = array<i32>} : memref<2x16384xi32, #tpu.memory_space<vmem>>, vector<16xi32>,
      %parallel_loop3A_159 = arith.constant 1.500000e+01 : f32
      %parallel_loop3A_160 = vector.broadcast %parallel_loop3A_159 : f32 to vector<16xf32>
      %parallel_loop3A_161 = arith.mulf %parallel_loop3A_150, %parallel_loop3A_160 : vector<16xf32>
      %parallel_loop3A_162 = arith.constant 5.000000e-01 : f32
      %parallel_loop3A_163 = vector.broadcast %parallel_loop3A_162 : f32 to vector<16xf32>
      %parallel_loop3A_164 = arith.addf %parallel_loop3A_161, %parallel_loop3A_163 : vector<16xf32>
      %parallel_loop3A_165 = arith.fptosi %parallel_loop3A_164 : vector<16xf32> to vector<16xi32>
      %parallel_loop3A_166 = arith.constant 0 : i32
      %parallel_loop3A_167 = vector.broadcast %parallel_loop3A_166 : i32 to vector<16xi32>
      %parallel_loop3A_168 = arith.cmpi slt, %parallel_loop3A_165, %parallel_loop3A_167 : vector<16xi32>
      %parallel_loop3A_169 = arith.constant 16 : i32
      %parallel_loop3A_170 = vector.broadcast %parallel_loop3A_169 : i32 to vector<16xi32>
      %parallel_loop3A_171 = arith.addi %parallel_loop3A_165, %parallel_loop3A_170 : vector<16xi32>
      %parallel_loop3A_172 = arith.select %parallel_loop3A_168, %parallel_loop3A_171, %parallel_loop3A_165 : vector<16xi1>, vector<16xi32>
      %parallel_loop3A_173 = vector.shape_cast %parallel_loop3A_172 : vector<16xi32> to vector<16x1xi32>
      %parallel_loop3A_174 = vector.shape_cast %parallel_loop3A_173 : vector<16x1xi32> to vector<16xi32>
      %parallel_loop3A_175 = tpu.dynamic_gather %get3A_1[%parallel_loop3A_174] in [0] : vector<16xf32>, vector<16xi32> -> vector<16xf32>
      %parallel_loop3A_176 = arith.cmpf ole, %parallel_loop3A_150, %parallel_loop3A_175 : vector<16xf32>
      %parallel_loop3A_177 = arith.extui %parallel_loop3A_176 : vector<16xi1> to vector<16xi32>
      %parallel_loop3A_178 = arith.subi %parallel_loop3A_165, %parallel_loop3A_177 : vector<16xi32>
      %parallel_loop3A_179 = arith.constant 0.000000e+00 : f32
      %parallel_loop3A_180 = vector.broadcast %parallel_loop3A_179 : f32 to vector<16xf32>
      %parallel_loop3A_181 = arith.cmpf ogt, %parallel_loop3A_150, %parallel_loop3A_180 : vector<16xf32>
      %parallel_loop3A_182 = arith.constant 16 : i32
      %parallel_loop3A_183 = vector.broadcast %parallel_loop3A_182 : i32 to vector<16xi32>
      %parallel_loop3A_184 = arith.muli %parallel_loop3A_178, %parallel_loop3A_183 : vector<16xi32>
      %parallel_loop3A_185 = arith.addi %parallel_loop3A_184, %iota3A : vector<16xi32>
      %parallel_loop3A_186 = arith.cmpi eq, %parallel_loop3A_154, %parallel_loop3A_158 : vector<16xi32>
      %parallel_loop3A_187 = arith.constant 4.097000e+03 : f32
      %parallel_loop3A_188 = arith.constant 4.096000e+03 : f32
      %parallel_loop3A_189 = vector.broadcast %parallel_loop3A_187 : f32 to vector<16xf32>
      %parallel_loop3A_190 = vector.broadcast %parallel_loop3A_188 : f32 to vector<16xf32>
      %parallel_loop3A_191 = arith.select %parallel_loop3A_186, %parallel_loop3A_189, %parallel_loop3A_190 : vector<16xi1>, vector<16xf32>
      tpu.vector_store_idx %arg12[%parallel_loop3A_185], %parallel_loop3A_191 masked %parallel_loop3A_181 {add = true} : memref<256xf32, #tpu.memory_space<vmem>>[vector<16xi32>], vector<16xf32>, vector<16xi1>
      tpu.vector_store_idx %arg13[%parallel_loop3A_185], %parallel_loop3A_150 masked %parallel_loop3A_181 {add = true} : memref<256xf32, #tpu.memory_space<vmem>>[vector<16xi32>], vector<16xf32>, vector<16xi1>
    } {sc.loop_unroll_factor = 6 : i64, sc.parallel_access}
    %dma_wait3A_97 = arith.constant 1 : i32
    %dma_wait3A_98 = arith.constant 0 : i32
    %dma_wait3A_99 = tpu.memref_slice %arg8[%dma_wait3A_97, %dma_wait3A_98] : memref<2x16384xi32, #tpu.memory_space<vmem>> -> memref<1x16384xi32, #tpu.memory_space<vmem>>
    %dma_wait3A_100 = tpu.memref_squeeze %dma_wait3A_99 : memref<1x16384xi32, #tpu.memory_space<vmem>> -> memref<16384xi32, #tpu.memory_space<vmem>>
    %dma_wait3A_101 = tpu.memref_slice %arg2[%add3A_35] : memref<1048576xi32, #tpu.memory_space<hbm>> -> memref<16384xi32, #tpu.memory_space<hbm>>
    %dma_wait3A_102 = arith.constant 0 : i32
    %dma_wait3A_103 = tpu.memref_slice %arg8[%dma_wait3A_97, %dma_wait3A_102] : memref<2x16384xi32, #tpu.memory_space<vmem>> -> memref<1x16384xi32, #tpu.memory_space<vmem>>
    %dma_wait3A_104 = tpu.memref_squeeze %dma_wait3A_103 : memref<1x16384xi32, #tpu.memory_space<vmem>> -> memref<16384xi32, #tpu.memory_space<vmem>>
    %dma_wait3A_105 = tpu.memref_slice %arg2[%add3A_35] : memref<1048576xi32, #tpu.memory_space<hbm>> -> memref<16384xi32, #tpu.memory_space<hbm>>
    tpu.wait_dma2 semaphore(%arg20 : memref<!tpu.dma_semaphore, #tpu.memory_space<semaphore_mem>>) src(%dma_wait3A_105 : memref<16384xi32, #tpu.memory_space<hbm>>) dst(%dma_wait3A_104 : memref<16384xi32, #tpu.memory_space<vmem>>)
    %dma_wait3A_106 = arith.constant 1 : i32
    %dma_wait3A_107 = arith.constant 0 : i32
    %dma_wait3A_108 = tpu.memref_slice %arg9[%dma_wait3A_106, %dma_wait3A_107] : memref<2x16384xf32, #tpu.memory_space<vmem>> -> memref<1x16384xf32, #tpu.memory_space<vmem>>
    %dma_wait3A_109 = tpu.memref_squeeze %dma_wait3A_108 : memref<1x16384xf32, #tpu.memory_space<vmem>> -> memref<16384xf32, #tpu.memory_space<vmem>>
    %dma_wait3A_110 = tpu.memref_slice %arg3[%add3A_35] : memref<1048576xf32, #tpu.memory_space<hbm>> -> memref<16384xf32, #tpu.memory_space<hbm>>
    %dma_wait3A_111 = arith.constant 0 : i32
    %dma_wait3A_112 = tpu.memref_slice %arg9[%dma_wait3A_106, %dma_wait3A_111] : memref<2x16384xf32, #tpu.memory_space<vmem>> -> memref<1x16384xf32, #tpu.memory_space<vmem>>
    %dma_wait3A_113 = tpu.memref_squeeze %dma_wait3A_112 : memref<1x16384xf32, #tpu.memory_space<vmem>> -> memref<16384xf32, #tpu.memory_space<vmem>>
    %dma_wait3A_114 = tpu.memref_slice %arg3[%add3A_35] : memref<1048576xf32, #tpu.memory_space<hbm>> -> memref<16384xf32, #tpu.memory_space<hbm>>
    tpu.wait_dma2 semaphore(%arg20 : memref<!tpu.dma_semaphore, #tpu.memory_space<semaphore_mem>>) src(%dma_wait3A_114 : memref<16384xf32, #tpu.memory_space<hbm>>) dst(%dma_wait3A_113 : memref<16384xf32, #tpu.memory_space<vmem>>)
    %dma_wait3A_115 = arith.constant 1 : i32
    %dma_wait3A_116 = arith.constant 0 : i32
    %dma_wait3A_117 = tpu.memref_slice %arg10[%dma_wait3A_115, %dma_wait3A_116] : memref<2x16384xi32, #tpu.memory_space<vmem>> -> memref<1x16384xi32, #tpu.memory_space<vmem>>
    %dma_wait3A_118 = tpu.memref_squeeze %dma_wait3A_117 : memref<1x16384xi32, #tpu.memory_space<vmem>> -> memref<16384xi32, #tpu.memory_space<vmem>>
    %dma_wait3A_119 = tpu.memref_slice %arg4[%add3A_35] : memref<1048576xi32, #tpu.memory_space<hbm>> -> memref<16384xi32, #tpu.memory_space<hbm>>
    %dma_wait3A_120 = arith.constant 0 : i32
    %dma_wait3A_121 = tpu.memref_slice %arg10[%dma_wait3A_115, %dma_wait3A_120] : memref<2x16384xi32, #tpu.memory_space<vmem>> -> memref<1x16384xi32, #tpu.memory_space<vmem>>
    %dma_wait3A_122 = tpu.memref_squeeze %dma_wait3A_121 : memref<1x16384xi32, #tpu.memory_space<vmem>> -> memref<16384xi32, #tpu.memory_space<vmem>>
    %dma_wait3A_123 = tpu.memref_slice %arg4[%add3A_35] : memref<1048576xi32, #tpu.memory_space<hbm>> -> memref<16384xi32, #tpu.memory_space<hbm>>
    tpu.wait_dma2 semaphore(%arg20 : memref<!tpu.dma_semaphore, #tpu.memory_space<semaphore_mem>>) src(%dma_wait3A_123 : memref<16384xi32, #tpu.memory_space<hbm>>) dst(%dma_wait3A_122 : memref<16384xi32, #tpu.memory_space<vmem>>)
    %parallel_loop3A_124 = arith.constant 0 : i32
    %parallel_loop3A_125 = arith.constant 1024 : i32
    %parallel_loop3A_126 = arith.constant 1 : i32
    scf.for %parallel_loop3A_144 = %parallel_loop3A_124 to %parallel_loop3A_125 step %parallel_loop3A_126  : i32 {
      %parallel_loop3A_145 = arith.constant 16 : i32
      %parallel_loop3A_146 = arith.muli %parallel_loop3A_144, %parallel_loop3A_145 : i32
      %parallel_loop3A_147 = arith.constant 1 : i32
      %parallel_loop3A_148 = arith.index_cast %parallel_loop3A_147 : i32 to index
      %parallel_loop3A_149 = arith.index_cast %parallel_loop3A_146 : i32 to index
      %parallel_loop3A_150 = tpu.vector_load %arg9[%parallel_loop3A_148, %parallel_loop3A_149] {strides = array<i32>} : memref<2x16384xf32, #tpu.memory_space<vmem>>, vector<16xf32>,
      %parallel_loop3A_151 = arith.constant 1 : i32
      %parallel_loop3A_152 = arith.index_cast %parallel_loop3A_151 : i32 to index
      %parallel_loop3A_153 = arith.index_cast %parallel_loop3A_146 : i32 to index
      %parallel_loop3A_154 = tpu.vector_load %arg8[%parallel_loop3A_152, %parallel_loop3A_153] {strides = array<i32>} : memref<2x16384xi32, #tpu.memory_space<vmem>>, vector<16xi32>,
      %parallel_loop3A_155 = arith.constant 1 : i32
      %parallel_loop3A_156 = arith.index_cast %parallel_loop3A_155 : i32 to index
      %parallel_loop3A_157 = arith.index_cast %parallel_loop3A_146 : i32 to index
      %parallel_loop3A_158 = tpu.vector_load %arg10[%parallel_loop3A_156, %parallel_loop3A_157] {strides = array<i32>} : memref<2x16384xi32, #tpu.memory_space<vmem>>, vector<16xi32>,
      %parallel_loop3A_159 = arith.constant 1.500000e+01 : f32
      %parallel_loop3A_160 = vector.broadcast %parallel_loop3A_159 : f32 to vector<16xf32>
      %parallel_loop3A_161 = arith.mulf %parallel_loop3A_150, %parallel_loop3A_160 : vector<16xf32>
      %parallel_loop3A_162 = arith.constant 5.000000e-01 : f32
      %parallel_loop3A_163 = vector.broadcast %parallel_loop3A_162 : f32 to vector<16xf32>
      %parallel_loop3A_164 = arith.addf %parallel_loop3A_161, %parallel_loop3A_163 : vector<16xf32>
      %parallel_loop3A_165 = arith.fptosi %parallel_loop3A_164 : vector<16xf32> to vector<16xi32>
      %parallel_loop3A_166 = arith.constant 0 : i32
      %parallel_loop3A_167 = vector.broadcast %parallel_loop3A_166 : i32 to vector<16xi32>
      %parallel_loop3A_168 = arith.cmpi slt, %parallel_loop3A_165, %parallel_loop3A_167 : vector<16xi32>
      %parallel_loop3A_169 = arith.constant 16 : i32
      %parallel_loop3A_170 = vector.broadcast %parallel_loop3A_169 : i32 to vector<16xi32>
      %parallel_loop3A_171 = arith.addi %parallel_loop3A_165, %parallel_loop3A_170 : vector<16xi32>
      %parallel_loop3A_172 = arith.select %parallel_loop3A_168, %parallel_loop3A_171, %parallel_loop3A_165 : vector<16xi1>, vector<16xi32>
      %parallel_loop3A_173 = vector.shape_cast %parallel_loop3A_172 : vector<16xi32> to vector<16x1xi32>
      %parallel_loop3A_174 = vector.shape_cast %parallel_loop3A_173 : vector<16x1xi32> to vector<16xi32>
      %parallel_loop3A_175 = tpu.dynamic_gather %get3A_1[%parallel_loop3A_174] in [0] : vector<16xf32>, vector<16xi32> -> vector<16xf32>
      %parallel_loop3A_176 = arith.cmpf ole, %parallel_loop3A_150, %parallel_loop3A_175 : vector<16xf32>
      %parallel_loop3A_177 = arith.extui %parallel_loop3A_176 : vector<16xi1> to vector<16xi32>
      %parallel_loop3A_178 = arith.subi %parallel_loop3A_165, %parallel_loop3A_177 : vector<16xi32>
      %parallel_loop3A_179 = arith.constant 0.000000e+00 : f32
      %parallel_loop3A_180 = vector.broadcast %parallel_loop3A_179 : f32 to vector<16xf32>
      %parallel_loop3A_181 = arith.cmpf ogt, %parallel_loop3A_150, %parallel_loop3A_180 : vector<16xf32>
      %parallel_loop3A_182 = arith.constant 16 : i32
      %parallel_loop3A_183 = vector.broadcast %parallel_loop3A_182 : i32 to vector<16xi32>
      %parallel_loop3A_184 = arith.muli %parallel_loop3A_178, %parallel_loop3A_183 : vector<16xi32>
      %parallel_loop3A_185 = arith.addi %parallel_loop3A_184, %iota3A : vector<16xi32>
      %parallel_loop3A_186 = arith.cmpi eq, %parallel_loop3A_154, %parallel_loop3A_158 : vector<16xi32>
      %parallel_loop3A_187 = arith.constant 4.097000e+03 : f32
      %parallel_loop3A_188 = arith.constant 4.096000e+03 : f32
      %parallel_loop3A_189 = vector.broadcast %parallel_loop3A_187 : f32 to vector<16xf32>
      %parallel_loop3A_190 = vector.broadcast %parallel_loop3A_188 : f32 to vector<16xf32>
      %parallel_loop3A_191 = arith.select %parallel_loop3A_186, %parallel_loop3A_189, %parallel_loop3A_190 : vector<16xi1>, vector<16xf32>
      tpu.vector_store_idx %arg12[%parallel_loop3A_185], %parallel_loop3A_191 masked %parallel_loop3A_181 {add = true} : memref<256xf32, #tpu.memory_space<vmem>>[vector<16xi32>], vector<16xf32>, vector<16xi1>
      tpu.vector_store_idx %arg13[%parallel_loop3A_185], %parallel_loop3A_150 masked %parallel_loop3A_181 {add = true} : memref<256xf32, #tpu.memory_space<vmem>>[vector<16xi32>], vector<16xf32>, vector<16xi1>
    } {sc.loop_unroll_factor = 6 : i64, sc.parallel_access}
    %scan3A_127 = arith.constant 2.44140625E-4 : f32
    %scan3A_128 = arith.constant 4.096000e+03 : f32
    %scan3A_129 = arith.constant 0 : i32
    %scan3A_130 = arith.constant 15 : i32
    %scan3A_131 = arith.addi %scan3A_129, %scan3A_130 : i32
    %scan3A_132 = arith.constant 1 : i32
    %scan3A_133:3 = scf.for %scan3A_144 = %scan3A_129 to %scan3A_131 step %scan3A_132 iter_args(%scan3A_145 = %broadcast_in_dim3A_63, %scan3A_146 = %broadcast_in_dim3A_63, %scan3A_147 = %broadcast_in_dim3A_63) -> (vector<16xf32>, vector<16xf32>, vector<16xf32>)  : i32 {
      %eq3A_148 = vector.broadcast %scan3A_144 : i32 to vector<16xi32>
      %eq3A_149 = arith.cmpi eq, %iota3A, %eq3A_148 : vector<16xi32>
      %mul3A_150 = arith.constant 16 : i32
      %mul3A_151 = arith.muli %scan3A_144, %mul3A_150 : i32
      %get3A_152 = arith.index_cast %mul3A_151 : i32 to index
      %get3A_153 = tpu.vector_load %arg12[%get3A_152] {strides = array<i32>} : memref<256xf32, #tpu.memory_space<vmem>>, vector<16xf32>,
      %mul3A_154 = vector.broadcast %scan3A_127 : f32 to vector<16xf32>
      %mul3A_155 = arith.mulf %get3A_153, %mul3A_154 : vector<16xf32>
      %convert_element_type3A_156 = arith.fptosi %mul3A_155 : vector<16xf32> to vector<16xi32>
      %convert_element_type3A_157 = arith.sitofp %convert_element_type3A_156 : vector<16xi32> to vector<16xf32>
      %mul3A_158 = vector.broadcast %scan3A_128 : f32 to vector<16xf32>
      %mul3A_159 = arith.mulf %mul3A_158, %convert_element_type3A_157 : vector<16xf32>
      %sub3A = arith.subf %get3A_153, %mul3A_159 : vector<16xf32>
      %reduce_sum3A = arith.constant true
      %reduce_sum3A_160 = vector.broadcast %reduce_sum3A : i1 to vector<16xi1>
      %reduce_sum3A_161 = tpu.scan <sum>, %convert_element_type3A_157 masked %reduce_sum3A_160 : vector<16xf32>, vector<16xi1> -> vector<16xf32>
      %reduce_sum3A_162 = vector.extract %reduce_sum3A_161[15] : f32 from vector<16xf32>
      %reduce_sum3A_163 = arith.constant true
      %reduce_sum3A_164 = vector.broadcast %reduce_sum3A_163 : i1 to vector<16xi1>
      %reduce_sum3A_165 = tpu.scan <sum>, %sub3A masked %reduce_sum3A_164 : vector<16xf32>, vector<16xi1> -> vector<16xf32>
      %reduce_sum3A_166 = vector.extract %reduce_sum3A_165[15] : f32 from vector<16xf32>
      %mul3A_167 = arith.constant 16 : i32
      %mul3A_168 = arith.muli %scan3A_144, %mul3A_167 : i32
      %get3A_169 = arith.index_cast %mul3A_168 : i32 to index
      %get3A_170 = tpu.vector_load %arg13[%get3A_169] {strides = array<i32>} : memref<256xf32, #tpu.memory_space<vmem>>, vector<16xf32>,
      %reduce_sum3A_171 = arith.constant true
      %reduce_sum3A_172 = vector.broadcast %reduce_sum3A_171 : i1 to vector<16xi1>
      %reduce_sum3A_173 = tpu.scan <sum>, %get3A_170 masked %reduce_sum3A_172 : vector<16xf32>, vector<16xi1> -> vector<16xf32>
      %reduce_sum3A_174 = vector.extract %reduce_sum3A_173[15] : f32 from vector<16xf32>
      %broadcast_in_dim3A_175 = vector.broadcast %reduce_sum3A_162 : f32 to vector<16xf32>
      %select_n3A = arith.select %eq3A_149, %broadcast_in_dim3A_175, %scan3A_145 : vector<16xi1>, vector<16xf32>
      %broadcast_in_dim3A_176 = vector.broadcast %reduce_sum3A_166 : f32 to vector<16xf32>
      %select_n3A_177 = arith.select %eq3A_149, %broadcast_in_dim3A_176, %scan3A_146 : vector<16xi1>, vector<16xf32>
      %broadcast_in_dim3A_178 = vector.broadcast %reduce_sum3A_174 : f32 to vector<16xf32>
      %select_n3A_179 = arith.select %eq3A_149, %broadcast_in_dim3A_178, %scan3A_147 : vector<16xi1>, vector<16xf32>
      scf.yield %select_n3A, %select_n3A_177, %select_n3A_179 : vector<16xf32>, vector<16xf32>, vector<16xf32>
    }
    %scan3A_134 = arith.constant 15 : i32
    %swap3A = arith.constant 0 : index
    %swap3A_135 = tpu.vector_load %arg14[%swap3A] {strides = array<i32>} : memref<48xf32, #tpu.memory_space<vmem>>, vector<16xf32>,
    tpu.vector_store %arg14[%swap3A], %scan3A_133#0 {strides = array<i32>} : memref<48xf32, #tpu.memory_space<vmem>>, vector<16xf32>,
    %swap3A_136 = arith.constant 16 : index
    %swap3A_137 = tpu.vector_load %arg14[%swap3A_136] {strides = array<i32>} : memref<48xf32, #tpu.memory_space<vmem>>, vector<16xf32>,
    tpu.vector_store %arg14[%swap3A_136], %scan3A_133#1 {strides = array<i32>} : memref<48xf32, #tpu.memory_space<vmem>>, vector<16xf32>,
    %swap3A_138 = arith.constant 32 : index
    %swap3A_139 = tpu.vector_load %arg14[%swap3A_138] {strides = array<i32>} : memref<48xf32, #tpu.memory_space<vmem>>, vector<16xf32>,
    tpu.vector_store %arg14[%swap3A_138], %scan3A_133#2 {strides = array<i32>} : memref<48xf32, #tpu.memory_space<vmem>>, vector<16xf32>,
    %mul3A_140 = arith.constant 48 : i32
    %mul3A_141 = arith.muli %arg1, %mul3A_140 : i32
    "tpu.region"() ({
      %run_scoped3A = tpu.sem_alloc : memref<!tpu.dma_semaphore, #tpu.memory_space<semaphore_mem>>
      %dma_start3A_144 = tpu.memref_slice %arg15[%mul3A_141] : memref<768xf32, #tpu.memory_space<vmem_shared>> -> memref<48xf32, #tpu.memory_space<vmem_shared>>
      %dma_start3A_145 = tpu.memref_slice %arg15[%mul3A_141] : memref<768xf32, #tpu.memory_space<vmem_shared>> -> memref<48xf32, #tpu.memory_space<vmem_shared>>
      tpu.enqueue_dma source(%arg14 : memref<48xf32, #tpu.memory_space<vmem>>) target(%dma_start3A_145 : memref<48xf32, #tpu.memory_space<vmem_shared>>) target_semaphore(%run_scoped3A : memref<!tpu.dma_semaphore, #tpu.memory_space<semaphore_mem>>)
      %dma_wait3A_146 = tpu.memref_slice %arg15[%mul3A_141] : memref<768xf32, #tpu.memory_space<vmem_shared>> -> memref<48xf32, #tpu.memory_space<vmem_shared>>
      %dma_wait3A_147 = tpu.memref_slice %arg15[%mul3A_141] : memref<768xf32, #tpu.memory_space<vmem_shared>> -> memref<48xf32, #tpu.memory_space<vmem_shared>>
      tpu.wait_dma2 semaphore(%run_scoped3A : memref<!tpu.dma_semaphore, #tpu.memory_space<semaphore_mem>>) src(%arg14 : memref<48xf32, #tpu.memory_space<vmem>>) dst(%dma_wait3A_147 : memref<48xf32, #tpu.memory_space<vmem_shared>>)
      tpu.yield
    }) : () -> ()
    %barrier3A = arith.constant 0 : index
    tpu.barrier barrier_id(%barrier3A)
    %eq3A = arith.constant 0 : i32
    %eq3A_142 = arith.cmpi eq, %arg1, %eq3A : i32
    %convert_element_type3A = arith.extui %eq3A_142 : i1 to i32
    %cond3A = arith.constant 0 : i32
    %cond3A_143 = arith.cmpi ne, %convert_element_type3A, %cond3A : i32
    scf.if %cond3A_143 {
      "tpu.region"() ({
        %run_scoped3A = tpu.sem_alloc : memref<!tpu.dma_semaphore, #tpu.memory_space<semaphore_mem>>
        tpu.enqueue_dma source(%arg15 : memref<768xf32, #tpu.memory_space<vmem_shared>>) target(%arg16 : memref<768xf32, #tpu.memory_space<vmem>>) target_semaphore(%run_scoped3A : memref<!tpu.dma_semaphore, #tpu.memory_space<semaphore_mem>>)
        tpu.wait_dma2 semaphore(%run_scoped3A : memref<!tpu.dma_semaphore, #tpu.memory_space<semaphore_mem>>) src(%arg15 : memref<768xf32, #tpu.memory_space<vmem_shared>>) dst(%arg16 : memref<768xf32, #tpu.memory_space<vmem>>)
        tpu.yield
      }) : () -> ()
      %scan3A_144 = arith.constant 0 : i32
      %scan3A_145 = arith.constant 16 : i32
      %scan3A_146 = arith.addi %scan3A_144, %scan3A_145 : i32
      %scan3A_147 = arith.constant 1 : i32
      %scan3A_148:3 = scf.for %scan3A_200 = %scan3A_144 to %scan3A_146 step %scan3A_147 iter_args(%scan3A_201 = %broadcast_in_dim3A_63, %scan3A_202 = %broadcast_in_dim3A_63, %scan3A_203 = %broadcast_in_dim3A_63) -> (vector<16xf32>, vector<16xf32>, vector<16xf32>)  : i32 {
        %mul3A_204 = arith.constant 48 : i32
        %mul3A_205 = arith.muli %scan3A_200, %mul3A_204 : i32
        %get3A_206 = arith.index_cast %mul3A_205 : i32 to index
        %get3A_207 = tpu.vector_load %arg16[%get3A_206] {strides = array<i32>} : memref<768xf32, #tpu.memory_space<vmem>>, vector<16xf32>,
        %add3A_208 = arith.addf %scan3A_201, %get3A_207 : vector<16xf32>
        %add3A_209 = arith.constant 16 : i32
        %add3A_210 = arith.addi %mul3A_205, %add3A_209 : i32
        %get3A_211 = arith.index_cast %add3A_210 : i32 to index
        %get3A_212 = tpu.vector_load %arg16[%get3A_211] {strides = array<i32>} : memref<768xf32, #tpu.memory_space<vmem>>, vector<16xf32>,
        %add3A_213 = arith.addf %scan3A_202, %get3A_212 : vector<16xf32>
        %add3A_214 = arith.constant 32 : i32
        %add3A_215 = arith.addi %mul3A_205, %add3A_214 : i32
        %get3A_216 = arith.index_cast %add3A_215 : i32 to index
        %get3A_217 = tpu.vector_load %arg16[%get3A_216] {strides = array<i32>} : memref<768xf32, #tpu.memory_space<vmem>>, vector<16xf32>,
        %add3A_218 = arith.addf %scan3A_203, %get3A_217 : vector<16xf32>
        scf.yield %add3A_208, %add3A_213, %add3A_218 : vector<16xf32>, vector<16xf32>, vector<16xf32>
      }
      %scan3A_149 = arith.constant 16 : i32
      %swap3A_150 = arith.constant 0 : index
      %swap3A_151 = tpu.vector_load %arg14[%swap3A_150] {strides = array<i32>} : memref<48xf32, #tpu.memory_space<vmem>>, vector<16xf32>,
      tpu.vector_store %arg14[%swap3A_150], %scan3A_148#0 {strides = array<i32>} : memref<48xf32, #tpu.memory_space<vmem>>, vector<16xf32>,
      %swap3A_152 = arith.constant 16 : index
      %swap3A_153 = tpu.vector_load %arg14[%swap3A_152] {strides = array<i32>} : memref<48xf32, #tpu.memory_space<vmem>>, vector<16xf32>,
      tpu.vector_store %arg14[%swap3A_152], %scan3A_148#1 {strides = array<i32>} : memref<48xf32, #tpu.memory_space<vmem>>, vector<16xf32>,
      %swap3A_154 = arith.constant 32 : index
      %swap3A_155 = tpu.vector_load %arg14[%swap3A_154] {strides = array<i32>} : memref<48xf32, #tpu.memory_space<vmem>>, vector<16xf32>,
      tpu.vector_store %arg14[%swap3A_154], %scan3A_148#2 {strides = array<i32>} : memref<48xf32, #tpu.memory_space<vmem>>, vector<16xf32>,
      %mul3A_156 = arith.constant 48 : i32
      %mul3A_157 = arith.muli %arg0, %mul3A_156 : i32
      "tpu.region"() ({
        %run_scoped3A = tpu.sem_alloc : memref<!tpu.dma_semaphore, #tpu.memory_space<semaphore_mem>>
        %dma_start3A_200 = tpu.memref_slice %arg6[%mul3A_157] : memref<96xf32, #tpu.memory_space<hbm>> -> memref<48xf32, #tpu.memory_space<hbm>>
        %dma_start3A_201 = tpu.memref_slice %arg6[%mul3A_157] : memref<96xf32, #tpu.memory_space<hbm>> -> memref<48xf32, #tpu.memory_space<hbm>>
        tpu.enqueue_dma source(%arg14 : memref<48xf32, #tpu.memory_space<vmem>>) target(%dma_start3A_201 : memref<48xf32, #tpu.memory_space<hbm>>) target_semaphore(%run_scoped3A : memref<!tpu.dma_semaphore, #tpu.memory_space<semaphore_mem>>)
        %dma_wait3A_202 = tpu.memref_slice %arg6[%mul3A_157] : memref<96xf32, #tpu.memory_space<hbm>> -> memref<48xf32, #tpu.memory_space<hbm>>
        %dma_wait3A_203 = tpu.memref_slice %arg6[%mul3A_157] : memref<96xf32, #tpu.memory_space<hbm>> -> memref<48xf32, #tpu.memory_space<hbm>>
        tpu.wait_dma2 semaphore(%run_scoped3A : memref<!tpu.dma_semaphore, #tpu.memory_space<semaphore_mem>>) src(%arg14 : memref<48xf32, #tpu.memory_space<vmem>>) dst(%dma_wait3A_203 : memref<48xf32, #tpu.memory_space<hbm>>)
        tpu.yield
      }) : () -> ()
      %sub3A = arith.constant 1 : i32
      %sub3A_158 = arith.subi %sub3A, %arg0 : i32
      %semaphore_signal3A = arith.constant 1 : i32
      %semaphore_signal3A_159 = arith.constant 0 : i32
      tpu.sem_signal %arg21, %semaphore_signal3A : memref<!tpu.semaphore, #tpu.memory_space<semaphore_mem>>
      %semaphore_wait3A = arith.constant 1 : i32
      %semaphore_wait3A_160 = arith.constant true
      tpu.sem_wait %arg21, %semaphore_wait3A : memref<!tpu.semaphore, #tpu.memory_space<semaphore_mem>>
      %sub3A_161 = arith.constant 1 : i32
      %sub3A_162 = arith.subi %sub3A_161, %arg0 : i32
      %mul3A_163 = arith.constant 48 : i32
      %mul3A_164 = arith.muli %sub3A_162, %mul3A_163 : i32
      "tpu.region"() ({
        %run_scoped3A = tpu.sem_alloc : memref<!tpu.dma_semaphore, #tpu.memory_space<semaphore_mem>>
        %dma_start3A_200 = tpu.memref_slice %arg6[%mul3A_164] : memref<96xf32, #tpu.memory_space<hbm>> -> memref<48xf32, #tpu.memory_space<hbm>>
        %dma_start3A_201 = tpu.memref_slice %arg6[%mul3A_164] : memref<96xf32, #tpu.memory_space<hbm>> -> memref<48xf32, #tpu.memory_space<hbm>>
        tpu.enqueue_dma source(%dma_start3A_201 : memref<48xf32, #tpu.memory_space<hbm>>) target(%arg17 : memref<48xf32, #tpu.memory_space<vmem>>) target_semaphore(%run_scoped3A : memref<!tpu.dma_semaphore, #tpu.memory_space<semaphore_mem>>)
        %dma_wait3A_202 = tpu.memref_slice %arg6[%mul3A_164] : memref<96xf32, #tpu.memory_space<hbm>> -> memref<48xf32, #tpu.memory_space<hbm>>
        %dma_wait3A_203 = tpu.memref_slice %arg6[%mul3A_164] : memref<96xf32, #tpu.memory_space<hbm>> -> memref<48xf32, #tpu.memory_space<hbm>>
        tpu.wait_dma2 semaphore(%run_scoped3A : memref<!tpu.dma_semaphore, #tpu.memory_space<semaphore_mem>>) src(%dma_wait3A_203 : memref<48xf32, #tpu.memory_space<hbm>>) dst(%arg17 : memref<48xf32, #tpu.memory_space<vmem>>)
        tpu.yield
      }) : () -> ()
      %get3A_165 = arith.constant 0 : index
      %get3A_166 = tpu.vector_load %arg17[%get3A_165] {strides = array<i32>} : memref<48xf32, #tpu.memory_space<vmem>>, vector<16xf32>,
      %add3A_167 = arith.addf %scan3A_148#0, %get3A_166 : vector<16xf32>
      %get3A_168 = arith.constant 16 : index
      %get3A_169 = tpu.vector_load %arg17[%get3A_168] {strides = array<i32>} : memref<48xf32, #tpu.memory_space<vmem>>, vector<16xf32>,
      %add3A_170 = arith.addf %scan3A_148#1, %get3A_169 : vector<16xf32>
      %get3A_171 = arith.constant 32 : index
      %get3A_172 = tpu.vector_load %arg17[%get3A_171] {strides = array<i32>} : memref<48xf32, #tpu.memory_space<vmem>>, vector<16xf32>,
      %add3A_173 = arith.addf %scan3A_148#2, %get3A_172 : vector<16xf32>
      %broadcast_in_dim3A_174 = arith.constant 1.000000e+00 : f32
      %broadcast_in_dim3A_175 = vector.broadcast %broadcast_in_dim3A_174 : f32 to vector<16xf32>
      %gt3A = arith.constant 0.000000e+00 : f32
      %gt3A_176 = vector.broadcast %gt3A : f32 to vector<16xf32>
      %gt3A_177 = arith.cmpf ogt, %add3A_167, %gt3A_176 : vector<16xf32>
      %select_n3A = arith.select %gt3A_177, %add3A_167, %broadcast_in_dim3A_175 : vector<16xi1>, vector<16xf32>
      %div3A = arith.divf %add3A_170, %select_n3A : vector<16xf32>
      %select_n3A_178 = arith.select %gt3A_177, %div3A, %add3A_170 : vector<16xi1>, vector<16xf32>
      %div3A_179 = arith.divf %add3A_173, %select_n3A : vector<16xf32>
      %select_n3A_180 = arith.select %gt3A_177, %div3A_179, %add3A_173 : vector<16xi1>, vector<16xf32>
      %sub3A_181 = arith.subf %select_n3A_178, %select_n3A_180 : vector<16xf32>
      %abs3A = math.absf %sub3A_181 : vector<16xf32>
      %mul3A_182 = arith.mulf %add3A_167, %abs3A : vector<16xf32>
      %reduce_sum3A = arith.constant true
      %reduce_sum3A_183 = vector.broadcast %reduce_sum3A : i1 to vector<16xi1>
      %reduce_sum3A_184 = tpu.scan <sum>, %mul3A_182 masked %reduce_sum3A_183 : vector<16xf32>, vector<16xi1> -> vector<16xf32>
      %reduce_sum3A_185 = vector.extract %reduce_sum3A_184[15] : f32 from vector<16xf32>
      %reduce_sum3A_186 = arith.constant true
      %reduce_sum3A_187 = vector.broadcast %reduce_sum3A_186 : i1 to vector<16xi1>
      %reduce_sum3A_188 = tpu.scan <sum>, %add3A_167 masked %reduce_sum3A_187 : vector<16xf32>, vector<16xi1> -> vector<16xf32>
      %reduce_sum3A_189 = vector.extract %reduce_sum3A_188[15] : f32 from vector<16xf32>
      %broadcast_in_dim3A_190 = vector.broadcast %reduce_sum3A_185 : f32 to vector<16xf32>
      %broadcast_in_dim3A_191 = vector.broadcast %reduce_sum3A_189 : f32 to vector<16xf32>
      %div3A_192 = arith.divf %broadcast_in_dim3A_190, %broadcast_in_dim3A_191 : vector<16xf32>
      %swap3A_193 = arith.constant 0 : index
      %swap3A_194 = tpu.vector_load %arg18[%swap3A_193] {strides = array<i32>} : memref<16xf32, #tpu.memory_space<vmem>>, vector<16xf32>,
      tpu.vector_store %arg18[%swap3A_193], %div3A_192 {strides = array<i32>} : memref<16xf32, #tpu.memory_space<vmem>>, vector<16xf32>,
      %eq3A_195 = arith.constant 0 : i32
      %eq3A_196 = arith.cmpi eq, %arg0, %eq3A_195 : i32
      %convert_element_type3A_197 = arith.extui %eq3A_196 : i1 to i32
      %cond3A_198 = arith.constant 0 : i32
      %cond3A_199 = arith.cmpi ne, %convert_element_type3A_197, %cond3A_198 : i32
      scf.if %cond3A_199 {
        "tpu.region"() ({
          %run_scoped3A = tpu.sem_alloc : memref<!tpu.dma_semaphore, #tpu.memory_space<semaphore_mem>>
          tpu.enqueue_dma source(%arg18 : memref<16xf32, #tpu.memory_space<vmem>>) target(%arg7 : memref<16xf32, #tpu.memory_space<hbm>>) target_semaphore(%run_scoped3A : memref<!tpu.dma_semaphore, #tpu.memory_space<semaphore_mem>>)
          tpu.wait_dma2 semaphore(%run_scoped3A : memref<!tpu.dma_semaphore, #tpu.memory_space<semaphore_mem>>) src(%arg18 : memref<16xf32, #tpu.memory_space<vmem>>) dst(%arg7 : memref<16xf32, #tpu.memory_space<hbm>>)
          tpu.yield
        }) : () -> ()
      } else {
      }
    } else {
    }
    return
  }
}

</mosaic_0001>

<sc_bundles>
// kernel: kernel.3.cloned.1.call-start
scs
__scs_entry_jumppad:
0x0: {  	(pc) =	sbr.rel $0x88, $3  }
0x1: {  	(tag) =	ssettag $0x0;
	lr =	simm.s32 $0x1  }
0x2: {  	[smem:$0x3F9E] =	sst lr;
	_ =	strace $0xD0000000  }
0x3: {  	_ = 	snop  }
0x4: {  	_ = 	snop  }
0x5: {  	_ = 	snop  }
0x6: {  	_ = 	snop  }
0x7: {  	_ = 	snop  }
__scs_overlays_trampoline_lowered:
0x8: {  	[smem:$0x3FAD] =	sst s0  }
0x9: {  	[smem:$0x3FAE] =	sst s1  }
0xa: {  	[smem:$0x3FAF] =	sst s2  }
0xb: {  	[smem:$0x3FB0] =	sst s3  }
0xc: {  	[smem:$0x3FB1] =	sst s4  }
0xd: {  	[smem:$0x3FB2] =	sst s5  }
0xe: {  	[smem:$0x3FB3] =	sst s6  }
0xf: {  	[smem:$0x3FB4] =	sst s7  }
0x10: {  	[smem:$0x3FB5] =	sst s8  }
0x11: {  	[smem:$0x3FB6] =	sst s9;
	s0 =	simm.s32 @!p0 $0x0  }
0x12: {  	s1 =	sld [smem:$0x3F9C];
	s0 =	simm.s32 @p0 $0x1  }
0x13: {  	[smem:$0x3FB7] =	sst s0;
	s0 =	simm.s32 @!p1 $0x0  }
0x14: {  	s2 =	sld [smem:$0x3F9B];
	s0 =	simm.s32 @p1 $0x1  }
0x15: {  	[smem:$0x3FB8] =	sst s0;
	s0 =	simm.s32 @!p2 $0x0  }
0x16: {  	s3 =	sld [smem:$0x3FDB];
	s0 =	simm.s32 @p2 $0x1  }
0x17: {  	s4 =	simm.s32 $0x1BF5;
	[smem:$0x3FBA] =	sst s0  }
0x18: {  	s0 =	sld [smem:$0x3F9D];
	_ =	swait.ge [sflag:s4], $0x0  }
0x19: {  	s7 =	sld [smem:$0x3F9E]  }
0x1a: {  	s8 =	sadd.s32 $0xFFFFE003, lr  }
0x1b: {  	s9 =	sadd.s32 $0xFFFFFEF7, lr;
	s5 =	simm.s32 $0xFFFFFFFF;
	p2 =	slt.u32 s8, $0xFFFFF086  }
0x1c: {  	p1 =	slt.u32 s9, $0xF7A;
	s5 =	simm.s32 @!p2 $0x0  }
0x1d: {  	s5 =	simm.s32 @p1 $0x1;
	p0 =	seq.s32 s7, s2  }
0x1e: {  	s7 =	smul.u32 @!p0 $0xF7A, s2;
	p2 =	seq.s32 @!p0 s5, $0x0  }
0x1f: {  	s9 =	smul.u32 $0xF7A, s1;
	s8 =	simm.s32 @!p0 $0x1BF5;
	p2 =	por !p2, p0  }
0x20: {  	[sflag:s8] =	ssyncset.s32 @!p0 $0xFFFFF086;
	s6 =	sadd.s32 @!p0 s3, s7;
	s7 =	simm.s32 @!p0 $0x108  }
0x21: {  	s3 =	sadd.s32 s3, s9;
	s6 =	sadd.s32 @!p0 $0x88, s6;
	s7 =	simm.s32 @p2 $0x1082  }
0x22: {  	[simem:s7], [sflag:s8] =	dma.local @!p0 [hbm:s6], $0xF7A  }
0x23: {  	s9 =	sor.u32 $0xD0000000, s2;
	s6 =	simm.s32 $0x108;
	_ =	swait.ge @!p0 [sflag:s8], $0x0  }
0x24: {  	s3 =	sadd.s32 $0x88, s3;
	s6 =	simm.s32 @!p1 $0x1082;
	[sflag:s4] =	ssyncset.s32 $0xFFFFF086  }
0x25: {  	[simem:s6], [sflag:s4] =	dma.local [hbm:s3], $0xF7A  }
0x26: {  	[smem:$0x3F9E] =	sst s1;
	(tag) =	ssettag s2;
	_ =	strace s9  }
0x27: {  	s1 =	sld [smem:$0x3FAE]  }
0x28: {  	s2 =	sld [smem:$0x3FAF]  }
0x29: {  	s4 =	sld [smem:$0x3FB1]  }
0x2a: {  	p0 =	seq.s32 s5, $0x0;
	s5 =	sld [smem:$0x3FB2]  }
0x2b: {  	s6 =	sld [smem:$0x3FB3]  }
0x2c: {  	s7 =	sld [smem:$0x3FB4]  }
0x2d: {  	s3 =	simm.s32 $0x108;
	s8 =	sld [smem:$0x3FB5]  }
0x2e: {  	s3 =	simm.s32 @!p0 $0x1082;
	s9 =	sld [smem:$0x3FB6]  }
0x2f: {  	lr =	sadd.s32 s0, s3;
	s0 =	sld [smem:$0x3FAD]  }
0x30: {  	s3 =	sld [smem:$0x3FB0]  }
0x31: {  	[smem:$0x3FB9] =	sst s10  }
0x32: {  	s10 =	sld [smem:$0x3FB7];
	_ =	sdelay $0x3  }
0x33: {  	p0 =	seq.s32 s10, $0x1;
	s10 =	sld [smem:$0x3FB9];
	_ =	sdelay $0x3  }
0x34: {  	[smem:$0x3FB9] =	sst s10  }
0x35: {  	s10 =	sld [smem:$0x3FB8];
	_ =	sdelay $0x3  }
0x36: {  	p1 =	seq.s32 s10, $0x1;
	s10 =	sld [smem:$0x3FB9];
	_ =	sdelay $0x3  }
0x37: {  	[smem:$0x3FB9] =	sst s10  }
0x38: {  	s10 =	sld [smem:$0x3FBA]  }
0x39: {  	_ = 	snop;
	(pc) =	sbr.ind lr, $3  }
0x3a: {  	_ = 	snop  }
0x3b: {  	_ = 	snop  }
0x3c: {  	p2 =	seq.s32 s10, $0x1;
	s10 =	sld [smem:$0x3FB9]  }
0x3d: {  	_ =	shalt  }
0x3e: {  	_ =	shalt  }
0x3f: {  	_ =	shalt  }
0x40: {  	_ =	shalt  }
0x41: {  	_ =	shalt  }
0x42: {  	_ =	shalt  }
0x43: {  	_ =	shalt  }
0x44: {  	_ =	shalt  }
0x45: {  	_ =	shalt  }
0x46: {  	_ =	shalt  }
0x47: {  	_ =	shalt  }
0x48: {  	_ =	shalt  }
0x49: {  	_ =	shalt  }
0x4a: {  	_ =	shalt  }
0x4b: {  	_ =	shalt  }
0x4c: {  	_ =	shalt  }
0x4d: {  	_ =	shalt  }
0x4e: {  	_ =	shalt  }
0x4f: {  	_ =	shalt  }
0x50: {  	_ =	shalt  }
0x51: {  	_ =	shalt  }
0x52: {  	_ =	shalt  }
0x53: {  	_ =	shalt  }
0x54: {  	_ =	shalt  }
0x55: {  	_ =	shalt  }
0x56: {  	_ =	shalt  }
0x57: {  	_ =	shalt  }
0x58: {  	_ =	shalt  }
0x59: {  	_ =	shalt  }
0x5a: {  	_ =	shalt  }
0x5b: {  	_ =	shalt  }
0x5c: {  	_ =	shalt  }
0x5d: {  	_ =	shalt  }
0x5e: {  	_ =	shalt  }
0x5f: {  	_ =	shalt  }
0x60: {  	_ =	shalt  }
0x61: {  	_ =	shalt  }
0x62: {  	_ =	shalt  }
0x63: {  	_ =	shalt  }
0x64: {  	_ =	shalt  }
0x65: {  	_ =	shalt  }
0x66: {  	_ =	shalt  }
0x67: {  	_ =	shalt  }
0x68: {  	_ =	shalt  }
0x69: {  	_ =	shalt  }
0x6a: {  	_ =	shalt  }
0x6b: {  	_ =	shalt  }
0x6c: {  	_ =	shalt  }
0x6d: {  	_ =	shalt  }
0x6e: {  	_ =	shalt  }
0x6f: {  	_ =	shalt  }
0x70: {  	_ =	shalt  }
0x71: {  	_ =	shalt  }
0x72: {  	_ =	shalt  }
0x73: {  	_ =	shalt  }
0x74: {  	_ =	shalt  }
0x75: {  	_ =	shalt  }
0x76: {  	_ =	shalt  }
0x77: {  	_ =	shalt  }
0x78: {  	_ =	shalt  }
0x79: {  	_ =	shalt  }
0x7a: {  	_ =	shalt  }
0x7b: {  	_ =	shalt  }
0x7c: {  	_ =	shalt  }
0x7d: {  	_ =	shalt  }
0x7e: {  	_ =	shalt  }
0x7f: {  	_ =	shalt  }
0x80: {  	_ =	shalt  }
0x81: {  	_ =	shalt  }
0x82: {  	_ =	shalt  }
0x83: {  	_ =	shalt  }
0x84: {  	_ =	shalt  }
0x85: {  	_ =	shalt  }
0x86: {  	_ =	shalt  }
0x87: {  	_ =	shalt  }
.Lfunc_end0:
.L_simem_size_0:
called_computation_lowered:
.L_overlay_start_0:
0x88: {  	s2 =	sld [smem:$0x3FD9]  }
0x89: {  	s3 =	sld [smem:$0x3FFE];
	_ =	sdelay $0x1  }
0x8a: {  	s1 =	srdreg.scid  }
0x8b: {  	s0 =	sand.u32 $0x1, s1  }
0x8c: {  	s17 =	sshll.u32 s0, $0xA;
	s2 =	sadd.s32 s3, s2  }
0x8d: {  	s2 =	sadd.s32 s2, s17  }
0x8e: {  	[smem:$0x3FC5] =	sst s2  }
0x8f: {  	_ = 	snop  }
0x90: {  	s2 =	sld [smem:$0x3FC9]  }
0x91: {  	s18 =	sld [smem:$0x3FC8]  }
0x92: {  	s4 =	sld [smem:$0x3FC7]  }
0x93: {  	s5 =	sld [smem:$0x3FD0];
	(tm) =	ssettm $0x1  }
0x94: {  	s6 =	sld [smem:$0x3FFB];
	_ =	sdelay $0x3  }
0x95: {  	_ =	strace s6  }
0x96: {  	s6 =	sld [smem:$0x3FFC];
	_ =	sdelay $0x3  }
0x97: {  	_ =	strace s6  }
0x98: {  	s6 =	sld [smem:$0x3FFD];
	_ =	sdelay $0x3  }
0x99: {  	_ =	strace s6  }
0x9a: {  	_ =	strace $0x8FFFFFFF  }
0x9b: {  	s19 =	sld [smem:$0x3FDB];
	_ =	sdelay $0x1  }
0x9c: {  	s7 =	simm.s32 $_scs_section_size  }
0x9d: {  	s8 =	simm.s32 $_size__tile_overlayer_lowered;
	s9 =	simm.s32 $_tile_overlayer_lowered  }
0x9e: {  	s22 =	simm.s32 $0x1BFF;
	s21 =	sshll.u32 s9, $0x1;
	s6 =	sadd.s32 s7, s19  }
0x9f: {  	s10 =	simm.s32 $0x0;
	s20 =	sshll.u32 s8, $0x1;
	s8 =	sadd.s32 s21, s6  }
0xa0: {  	[timem:s10], [sflag:s22] =	dma.local [hbm:s8], s20  }
0xa1: {  	_ =	swait.ge [sflag:s22], s20  }
0xa2: {  	s7 =	ssub.s32 $0x0, s20;
	[sflag:s22] =	ssyncset.done $0x0  }
0xa3: {  	[sflag:s22] =	ssyncadd.s32 s7;
	_ =	sdelay $0x1  }
0xa4: {  	s23 =	simm.s32 $0x1B8B  }
0xa5: {  	_ =	swait.ge [sflag:s23], $0x1  }
0xa6: {  	[sflag:s23] =	ssyncset.done $0x0  }
0xa7: {  	s25 =	simm.s32 $0x1B8E;
	s24 =	sld [smem:$0x3FFE];
	[sflag:s23] =	ssyncadd.s32 $0xFFFFFFFF  }
0xa8: {  	s26 =	simm.s32 $execute0_lowered;
	[smem:$0x3FD2] =	sst s25  }
0xa9: {  	s8 =	sshll.u32 s26, $0x1;
	_ =	strace $0x80000046;
	[dreg:$0x1] =	wrdreg $0xFFFFFFFF  }
0xaa: {  	s28 =	simm.s32 $_size_execute0_lowered;
	s6 =	sadd.s32 s6, s8;
	[dreg:$0x0] =	wrdreg $0x0  }
0xab: {  	s8 =	sshll.u32 s28, $0x1;
	[dreg:$0x2] =	wrdreg s6  }
0xac: {  	[dreg:$0x3] =	wrdreg s8  }
0xad: {  	[dreg:$0x4] =	wrdreg $0xC0  }
0xae: {  	_ =	task [dreg:s10], $0x5FFFF  }
0xaf: {  	[dreg:$0x1] =	wrdreg $0xFFFFFFFF  }
0xb0: {  	[dreg:$0x0] =	wrdreg $0x60  }
0xb1: {  	[dreg:$0x2] =	wrdreg s2  }
0xb2: {  	[dreg:$0x3] =	wrdreg s18  }
0xb3: {  	[dreg:$0x4] =	wrdreg s4  }
0xb4: {  	[dreg:$0x5] =	wrdreg s24  }
0xb5: {  	[dreg:$0x6] =	wrdreg s5  }
0xb6: {  	[dreg:$0x7] =	wrdreg $0x183000  }
0xb7: {  	[dreg:$0x8] =	wrdreg $0x9  }
0xb8: {  	_ =	task.clear_ibuf [dreg:s10], $0x9FFFF;
	_ =	strace $0x90000046  }
0xb9: {  	s29 =	simm.s32 $0x9;
	_ =	strace $0x80000048  }
0xba: {  	_ =	swait.ge [sflag:s29], $0x1  }
0xbb: {  	[sflag:s29] =	ssyncadd.s32 $0xFFFFFFFF  }
0xbc: {  	_ =	strace $0x90000048  }
0xbd: {  	_ =	sfence  }
0xbe: {  	s30 =	sld [smem:$0x0];
	_ =	sdelay $0x2  }
0xbf: {  	s31 =	sshll.u32 s1, $0xD;
	s1 =	sshrl.u32 s1, $0x2  }
0xc0: {  	s3 =	sand.u32 $0x4000, s31;
	s1 =	sadd.s32 s1, s30  }
0xc1: {  	s0 =	sor.u32 s3, s0;
	s1 =	sshll.u32 s1, $0x11  }
0xc2: {  	s0 =	sor.u32 s1, s0  }
0xc3: {  	s0 =	sadd.s32 $0x8F2B, s0  }
0xc4: {  	[sflag:s0] =	ssyncadd.remote.s32 $0x1  }
0xc5: {  	_ =	sfence.sel $0xFFFF  }
0xc6: {  	[dreg:$0x0] =	wrdreg $0xFFFFFFFF;
	(pc) =	sbr.abs _section_cstart, $3  }
0xc7: {  	[dreg:$0x1] =	wrdreg $0xFFFFFFFF  }
0xc8: {  	_ =	task.clear_ibuf [dreg:s10], $0x2FFFF;
	_ =	strace $0x9FFFFFFF  }
0xc9: {  	(tm) =	ssettm $0x7FFFFFFF  }
tec
execute0_lowered:
.L_overlay_start_1:
0x0: {  	(tag) =	ssettag $0x1  }
0x1: {  	s0 =	rddreg [dreg:$0x0]  }
0x2: {  	s1 =	rddreg [dreg:$0x1]  }
0x3: {  	s2 =	rddreg [dreg:$0x2]  }
0x4: {  	s5 =	rddreg [dreg:$0x3]  }
0x5: {  	s4 =	rddreg [dreg:$0x5]  }
0x6: {  	s3 =	simm.s32 $0x0;
	s6 =	srdreg.scid;
	s12 =	stileid.u32  }
0x7: {  	s17 =	simm.s32 $0x1;
	s18 =	simm.s32 $0x18080;
	s19 =	simm.s32 $0x18180  }
0x8: {  	s20 =	simm.s32 $0x2;
	s25 =	simm.s32 $0x0;
	[smem:$0x7FF] =	sst s3  }
0x9: {  	s7 =	sadd.s32 $0x800, s5;
	s13 =	sand.u32 $0x1, s6;
	s8 =	sshll.u32 s12, $0xC  }
0xa: {  	s14 =	sadd.s32 $0xA00, s5;
	s11 =	smul.u32 $0xC0, s12;
	p0 =	sne.s32 s12, $0x0  }
0xb: {  	_ =	strace $0x80000047;
	[dreg:$0x7] =	wrdreg s7;
	s6 =	ssub.s32 $0x2, s13  }
0xc: {  	s26 =	sshll.u32 s13, $0x10;
	s29 =	smul.u32 $0x6, s13;
	s16 =	sxor.u32 $0x1, s13  }
0xd: {  	p1 =	sne.s32 s13, $0x0;
	s28 =	sshrl.u32 s6, $0x1;
	s8 =	sor.u32 s8, s26  }
0xe: {  	s30 =	sshrl.u32 s11, $0x2;
	s16 =	smul.u32 $0x6, s16;
	s15 =	ssub.s32 s6, s28  }
.Ltmp0:
0xf: {  	s5 =	sadd.s32 s0, s8;
	s6 =	sadd.s32 s1, s8;
	(pc) =	sbr.rel .LBB2_1-.Ltmp0, $4  }
0x10: {  	s7 =	sadd.s32 s2, s8;
	s10 =	sor.u32 $0x800, s8;
	s11 =	sadd.s32 s30, s4  }
0x11: {  	s8 =	sadd.s32 s0, s10;
	s9 =	sadd.s32 s1, s10;
	s0 =	sadd.s32 s14, s29  }
0x12: {  	v0 =	vimm.f32 $0.0e+00;
	s10 =	sadd.s32 s2, s10;
	s31 =	sadd.s32 s14, s16;
	[dreg:$0x8] =	wrdreg s0  }
0x13: {  	v1 =	vimm.s32 $0x0;
	v2 =	vimm.f32 $4.096000000e+03;
	v3 =	vlaneseq.u32;
	s14 =	smax.u32 s15, $0x1;
	s16 =	simm.s32 $0x4;
	[dreg:$0x9] =	wrdreg s31  }
.LBB2_25:
0x14: {  	s25 =	sadd.s32 $0x1, s25  }
0x15: {  	p2 =	sne.s32 s25, s14  }
.Ltmp1:
0x16: {  	_ = 	snop;
	(pc) =	sbr.rel @!p2 .LBB2_26-.Ltmp1, $1  }
0x17: {  	_ =	sdelay $0x3  }
.LBB2_1:
0x18: {  	s0 =	rddreg [dreg:$0x7];
	s1 =	simm.s32 $0x18000  }
0x19: {  	[tilespmem:s1], [sflag:$0x4] =	stream.linear.gather [hbm4b:s0+s3], $0x80, $0x38;
	[tilespmem:$0x18730] =	vst v63  }
0x1a: {  	_ =	swait.ge [sflag:s16], $0x80  }
0x1b: {  	[sflag:s16] =	ssyncset.done $0x0  }
0x1c: {  	[sflag:s16] =	ssyncadd.s32 $0xFFFFFF80  }
0x1d: {  	v4 =	vld [tilespmem:$0x18000];
	_ =	sdelay $0x1  }
0x1e: {  	s12 =	sadd.s32 $0x0, s5  }
0x1f: {  	s2 =	simm.s32 $0x0;
	s0 =	simm.s32 $0x10;
	s1 =	simm.s32 $0x100  }
.LBB2_2:
0x20: {  	[tilespmem:s2], [sflag:$0x1] =	stream.linear.gather [hbm4b:s12+s3], $0x80, $0x38;
	[tilespmem:$0x18730] =	vst v63  }
0x21: {  	s12 =	smov.u32 s0;
	s2 =	smov.u32 s1;
	p2 =	sne.s32 s0, $0x7F0  }
.Ltmp2:
0x22: {  	s0 =	sadd.s32 $0x10, s0;
	(pc) =	sbr.rel @p2 .LBB2_2-.Ltmp2, $2  }
0x23: {  	_ =	sdelay $0x2  }
0x24: {  	s1 =	sadd.s32 $0x100, s1;
	s12 =	sadd.s32 s12, s5  }
0x25: {  	[tilespmem:s2], [sflag:$0x1] =	stream.linear.gather [hbm4b:s12+s3], $0x80, $0x38;
	[tilespmem:$0x18730] =	vst v63  }
0x26: {  	s0 =	simm.s32 $0x8000  }
0x27: {  	s1 =	simm.s32 $0x10;
	s12 =	sadd.s32 $0x0, s6;
	s2 =	simm.s32 $0x8100  }
.LBB2_4:
0x28: {  	[tilespmem:s0], [sflag:$0x1] =	stream.linear.gather [hbm4b:s12+s3], $0x80, $0x38;
	[tilespmem:$0x18730] =	vst v63  }
0x29: {  	s12 =	smov.u32 s1;
	s0 =	smov.u32 s2;
	p2 =	sne.s32 s1, $0x7F0  }
.Ltmp3:
0x2a: {  	s1 =	sadd.s32 $0x10, s1;
	(pc) =	sbr.rel @p2 .LBB2_4-.Ltmp3, $2  }
0x2b: {  	_ =	sdelay $0x2  }
0x2c: {  	s2 =	sadd.s32 $0x100, s2;
	s12 =	sadd.s32 s12, s6  }
0x2d: {  	[tilespmem:s0], [sflag:$0x1] =	stream.linear.gather [hbm4b:s12+s3], $0x80, $0x38;
	[tilespmem:$0x18730] =	vst v63  }
0x2e: {  	s0 =	simm.s32 $0x10000  }
0x2f: {  	s1 =	simm.s32 $0x10;
	s12 =	sadd.s32 $0x0, s7;
	s2 =	simm.s32 $0x10100  }
.LBB2_6:
0x30: {  	[tilespmem:s0], [sflag:$0x1] =	stream.linear.gather [hbm4b:s12+s3], $0x80, $0x38;
	[tilespmem:$0x18730] =	vst v63  }
0x31: {  	s12 =	smov.u32 s1;
	s0 =	smov.u32 s2;
	p2 =	sne.s32 s1, $0x7F0  }
.Ltmp4:
0x32: {  	s1 =	sadd.s32 $0x10, s1;
	(pc) =	sbr.rel @p2 .LBB2_6-.Ltmp4, $2  }
0x33: {  	_ =	sdelay $0x2  }
0x34: {  	s2 =	sadd.s32 $0x100, s2;
	s12 =	sadd.s32 s12, s7  }
0x35: {  	[tilespmem:s0], [sflag:$0x1] =	stream.linear.gather [hbm4b:s12+s3], $0x80, $0x38;
	[tilespmem:$0x18730] =	vst v63  }
0x36: {  	s0 =	simm.s32 $0x80  }
0x37: {  	s1 =	simm.s32 $0x10;
	s12 =	sadd.s32 $0x0, s8;
	s2 =	simm.s32 $0x180  }
.LBB2_8:
0x38: {  	[tilespmem:s0], [sflag:$0x2] =	stream.linear.gather [hbm4b:s12+s3], $0x80, $0x38;
	[tilespmem:$0x18730] =	vst v63  }
0x39: {  	s12 =	smov.u32 s1;
	s0 =	smov.u32 s2;
	p2 =	sne.s32 s1, $0x7F0  }
.Ltmp5:
0x3a: {  	s1 =	sadd.s32 $0x10, s1;
	(pc) =	sbr.rel @p2 .LBB2_8-.Ltmp5, $2  }
0x3b: {  	_ =	sdelay $0x2  }
0x3c: {  	s2 =	sadd.s32 $0x100, s2;
	s12 =	sadd.s32 s12, s8  }
0x3d: {  	[tilespmem:s0], [sflag:$0x2] =	stream.linear.gather [hbm4b:s12+s3], $0x80, $0x38;
	[tilespmem:$0x18730] =	vst v63  }
0x3e: {  	s0 =	simm.s32 $0x8080  }
0x3f: {  	s1 =	simm.s32 $0x10;
	s12 =	sadd.s32 $0x0, s9;
	s2 =	simm.s32 $0x8180  }
.LBB2_10:
0x40: {  	[tilespmem:s0], [sflag:$0x2] =	stream.linear.gather [hbm4b:s12+s3], $0x80, $0x38;
	[tilespmem:$0x18730] =	vst v63  }
0x41: {  	s12 =	smov.u32 s1;
	s0 =	smov.u32 s2;
	p2 =	sne.s32 s1, $0x7F0  }
.Ltmp6:
0x42: {  	s1 =	sadd.s32 $0x10, s1;
	(pc) =	sbr.rel @p2 .LBB2_10-.Ltmp6, $2  }
0x43: {  	_ =	sdelay $0x2  }
0x44: {  	s2 =	sadd.s32 $0x100, s2;
	s12 =	sadd.s32 s12, s9  }
0x45: {  	[tilespmem:s0], [sflag:$0x2] =	stream.linear.gather [hbm4b:s12+s3], $0x80, $0x38;
	[tilespmem:$0x18730] =	vst v63  }
0x46: {  	s0 =	simm.s32 $0x10080  }
0x47: {  	s1 =	simm.s32 $0x10;
	s12 =	sadd.s32 $0x0, s10;
	s2 =	simm.s32 $0x10180  }
.LBB2_12:
0x48: {  	[tilespmem:s0], [sflag:$0x2] =	stream.linear.gather [hbm4b:s12+s3], $0x80, $0x38;
	[tilespmem:$0x18730] =	vst v63  }
0x49: {  	s12 =	smov.u32 s1;
	s0 =	smov.u32 s2;
	p2 =	sne.s32 s1, $0x7F0  }
.Ltmp7:
0x4a: {  	s1 =	sadd.s32 $0x10, s1;
	(pc) =	sbr.rel @p2 .LBB2_12-.Ltmp7, $2  }
0x4b: {  	_ =	sdelay $0x2  }
0x4c: {  	s2 =	sadd.s32 $0x100, s2;
	s12 =	sadd.s32 s12, s10  }
0x4d: {  	[tilespmem:s0], [sflag:$0x2] =	stream.linear.gather [hbm4b:s12+s3], $0x80, $0x38;
	[tilespmem:$0x18730] =	vst v63  }
0x4e: {  	[tilespmem:$0x18080] =	vst v0  }
0x4f: {  	[tilespmem:$0x18180] =	vst v0  }
0x50: {  	[tilespmem:$0x18090] =	vst v0  }
0x51: {  	[tilespmem:$0x18190] =	vst v0  }
0x52: {  	[tilespmem:$0x180A0] =	vst v0  }
0x53: {  	[tilespmem:$0x181A0] =	vst v0  }
0x54: {  	[tilespmem:$0x180B0] =	vst v0  }
0x55: {  	[tilespmem:$0x181B0] =	vst v0  }
0x56: {  	[tilespmem:$0x180C0] =	vst v0  }
0x57: {  	[tilespmem:$0x181C0] =	vst v0  }
0x58: {  	[tilespmem:$0x180D0] =	vst v0  }
0x59: {  	[tilespmem:$0x181D0] =	vst v0  }
0x5a: {  	[tilespmem:$0x180E0] =	vst v0  }
0x5b: {  	[tilespmem:$0x181E0] =	vst v0  }
0x5c: {  	[tilespmem:$0x180F0] =	vst v0  }
0x5d: {  	[tilespmem:$0x181F0] =	vst v0  }
0x5e: {  	[tilespmem:$0x18100] =	vst v0  }
0x5f: {  	[tilespmem:$0x18200] =	vst v0  }
0x60: {  	[tilespmem:$0x18110] =	vst v0  }
0x61: {  	[tilespmem:$0x18210] =	vst v0  }
0x62: {  	[tilespmem:$0x18120] =	vst v0  }
0x63: {  	[tilespmem:$0x18220] =	vst v0  }
0x64: {  	[tilespmem:$0x18130] =	vst v0  }
0x65: {  	[tilespmem:$0x18230] =	vst v0  }
0x66: {  	[tilespmem:$0x18140] =	vst v0  }
0x67: {  	[tilespmem:$0x18240] =	vst v0  }
0x68: {  	[tilespmem:$0x18150] =	vst v0  }
0x69: {  	[tilespmem:$0x18250] =	vst v0  }
0x6a: {  	[tilespmem:$0x18160] =	vst v0  }
0x6b: {  	[tilespmem:$0x18260] =	vst v0  }
0x6c: {  	_ =	swait.ge [sflag:s17], $0x4000  }
0x6d: {  	[sflag:s17] =	ssyncset.done $0x0  }
0x6e: {  	[sflag:s17] =	ssyncadd.s32 $0xFFFFC000  }
0x6f: {  	_ =	swait.ge [sflag:s17], $0x4000  }
0x70: {  	[sflag:s17] =	ssyncset.done $0x0  }
0x71: {  	[sflag:s17] =	ssyncadd.s32 $0xFFFFC000  }
0x72: {  	s12 =	simm.s32 $0x0;
	s1 =	simm.s32 $0x0;
	_ =	swait.ge [sflag:s17], $0x4000  }
0x73: {  	s1 =	sand.u32 $0x60, s1;
	s0 =	sand.u32 $0x7F00, s12;
	[sflag:s17] =	ssyncset.done $0x0  }
0x74: {  	s2 =	sor.u32 s1, s0;
	[sflag:s17] =	ssyncadd.s32 $0xFFFFC000  }
0x75: {  	s13 =	simm.s32 $0x20;
	s15 =	simm.s32 $0x40;
	v10 =	vld [tilespmem:s2+$0x8010]  }
0x76: {  	s21 =	simm.s32 $0x40;
	s0 =	sand.u32 $0x60, s13;
	s1 =	sand.u32 $0xFF00, s15  }
0x77: {  	s22 =	simm.s32 $0x80;
	s23 =	simm.s32 $0x60;
	s31 =	sor.u32 s0, s1  }
0x78: {  	s24 =	simm.s32 $0x30;
	s0 =	sand.u32 $0x60, s21;
	s1 =	sand.u32 $0xFF00, s22;
	v5 =	vld [tilespmem:s31+$0x8000]  }
0x79: {  	s12 =	sand.u32 $0xFF00, s23;
	s0 =	sor.u32 s0, s1;
	s1 =	sand.u32 $0x70, s24;
	v7 =	vld [tilespmem:s2+$0x8000]  }
0x7a: {  	s1 =	sor.u32 s1, s12;
	v6 =	vld [tilespmem:s0+$0x8000];
	v8 =	vmul.f32 $1.500000000e+01, v10  }
0x7b: {  	v9 =	vld [tilespmem:s1+$0x8000]  }
0x7c: {  	v8 =	vadd.f32 $5.000000000e-01, v8  }
0x7d: {  	s26 =	simm.s32 $0x50;
	s13 =	simm.s32 $0xA0;
	v11 =	vmul.f32 $1.500000000e+01, v5  }
0x7e: {  	s13 =	sand.u32 $0xFF00, s13;
	s12 =	sand.u32 $0x70, s26;
	v8 =	vtrunc.f32 v8  }
0x7f: {  	s12 =	sor.u32 s12, s13;
	v13 =	vmul.f32 $1.500000000e+01, v7;
	v11 =	vadd.f32 $5.000000000e-01, v11;
	v12 =	vcvt.f32.s32 v8  }
0x80: {  	v15 =	vmul.f32 $1.500000000e+01, v6;
	v16 =	vmul.f32 $1.500000000e+01, v9;
	v8 =	vld [tilespmem:s12+$0x8000]  }
0x81: {  	v13 =	vadd.f32 $5.000000000e-01, v13;
	v11 =	vtrunc.f32 v11;
	v14 =	vperm.xlane v4, v12  }
0x82: {  	v20 =	vld [tilespmem:s2+$0x10010];
	vm0 =	vgt.f32 v10, $0.0e+00;
	v16 =	vadd.f32 $5.000000000e-01, v16;
	v17 =	vcvt.f32.s32 v11  }
0x83: {  	v21 =	vld [tilespmem:s2+$0x10];
	v11 =	vtrunc.f32 v13;
	vm1 =	vle.f32 v10, v14;
	v14 =	vadd.f32 $5.000000000e-01, v15  }
0x84: {  	v18 =	vcvt.f32.s32 v11;
	v19 =	vperm.xlane v4, v17;
	v13 =	vsel vm1, $0xFFFFFFFF, v1  }
0x85: {  	v11 =	vld [tilespmem:s12+$0x10000];
	v22 =	vmul.f32 $1.500000000e+01, v8;
	v12 =	vadd.s32 v12, v13;
	v14 =	vtrunc.f32 v14  }
0x86: {  	vm1 =	vle.f32 v5, v19;
	v19 =	vld [tilespmem:s2+$0x10000];
	v12 =	vshll.u32 v12, $0x4;
	v25 =	vcvt.f32.s32 v14  }
0x87: {  	v26 =	vperm.xlane v4, v18;
	v13 =	vld [tilespmem:s1+$0x10000];
	v23 =	vsel vm1, $0xFFFFFFFF, v1;
	v15 =	vor.u32 v3, v12  }
0x88: {  	vm1 =	veq.s32 v21, v20;
	v21 =	vld [tilespmem:s2+$0x0];
	v22 =	vadd.f32 $5.000000000e-01, v22;
	v24 =	vperm.xlane v4, v25  }
0x89: {  	v16 =	vtrunc.f32 v16;
	vm2 =	vle.f32 v7, v26;
	v14 =	vld [tilespmem:s1+$0x0];
	v23 =	vadd.s32 v17, v23  }
0x8a: {  	s28 =	simm.s32 $0x40;
	v17 =	vcvt.f32.s32 v16;
	v16 =	vld [tilespmem:s31+$0x10000];
	v20 =	vtrunc.f32 v22;
	vm3 =	vle.f32 v6, v24  }
0x8b: {  	s29 =	simm.s32 $0x10040;
	s30 =	simm.s32 $0x7F80;
	s22 =	simm.s32 $0xC0;
	v12 =	vld [tilespmem:s12+$0x0];
	v22 =	vsel vm1, $0x45800800, v2;
	v20 =	vcvt.f32.s32 v20;
	v26 =	vsel vm3, $0xFFFFFFFF, v1  }
0x8c: {  	s24 =	simm.s32 $0xB0;
	s26 =	simm.s32 $0x8040;
	s1 =	simm.s32 $0x0;
	v24 =	vsel vm2, $0xFFFFFFFF, v1;
	[tilespmem:v15+s18+$0x0] =	vst.idx.add.f32.msk vm0, v22;
	v22 =	vperm.xlane v4, v17;
	v25 =	vadd.s32 v25, v26  }
.LBB2_14:
0x8d: {  	s2 =	sadd.s32 $0xFFFFFFB0, s24;
	s12 =	sadd.s32 $0xFFFFFFF0, s24;
	s13 =	sadd.s32 $0x80, s22;
	v18 =	vadd.s32 v18, v24;
	v23 =	vshll.u32 v23, $0x4;
	v24 =	vld [tilespmem:s0+$0x10000];
	v25 =	vshll.u32 v25, $0x4  }
0x8e: {  	s15 =	sand.u32 $0x70, s24;
	s2 =	sand.u32 $0x60, s2;
	s12 =	sand.u32 $0x60, s12;
	v18 =	vshll.u32 v18, $0x4;
	v26 =	vld [tilespmem:s0+$0x0];
	v25 =	vor.u32 v3, v25;
	v27 =	vperm.xlane v4, v20  }
0x8f: {  	s21 =	sadd.s32 $0xFFFFFFD0, s24;
	vm1 =	vgt.f32 v6, $0.0e+00;
	s0 =	sand.u32 $0x7F00, s22;
	s13 =	sand.u32 $0xFF00, s13;
	v18 =	vor.u32 v3, v18;
	[tilespmem:v15+s19+$0x0] =	vst.idx.add.f32.msk vm0, v10;
	v15 =	vor.u32 v3, v23  }
0x90: {  	s23 =	sadd.s32 $0x60, s22;
	vm2 =	vle.f32 v9, v22;
	s2 =	sor.u32 s2, s0;
	s0 =	sor.u32 s12, s13;
	vm5 =	veq.s32 v21, v19;
	vm0 =	veq.s32 v14, v13;
	v19 =	vld [tilespmem:s31+$0x0]  }
0x91: {  	vm3 =	vgt.f32 v7, $0.0e+00;
	s13 =	sand.u32 $0x60, s21;
	s12 =	sadd.s32 $0x40, s22;
	s21 =	sadd.s32 $0xA0, s22;
	v14 =	vsel vm2, $0xFFFFFFFF, v1;
	vm4 =	vle.f32 v8, v27;
	v13 =	vld [tilespmem:s2+$0x8000]  }
0x92: {  	vm2 =	vgt.f32 v5, $0.0e+00;
	s31 =	sand.u32 $0xFF00, s12;
	s12 =	sadd.s32 $0xFFFFFFE0, s24;
	s21 =	sand.u32 $0xFF00, s21;
	v14 =	vadd.s32 v17, v14;
	v17 =	vsel vm4, $0xFFFFFFFF, v1;
	v10 =	vld [tilespmem:s2+$0x8010]  }
0x93: {  	s23 =	sand.u32 $0xFF00, s23;
	s4 =	sand.u32 $0x70, s12;
	s12 =	sor.u32 s15, s21;
	v14 =	vshll.u32 v14, $0x4;
	v17 =	vadd.s32 v20, v17;
	v21 =	vld [tilespmem:s0+$0x8000];
	vm4 =	veq.s32 v26, v24  }
0x94: {  	s1 =	sadd.s32 $0x6, s1;
	s31 =	sor.u32 s13, s31;
	s13 =	sor.u32 s4, s23;
	v20 =	vld [tilespmem:s12+$0x8000];
	v22 =	vsel vm4, $0x45800800, v2  }
0x95: {  	p2 =	slt.u32 s1, $0x3F6;
	vm4 =	vgt.f32 v8, $0.0e+00;
	vm6 =	veq.s32 v19, v16;
	[tilespmem:v25+s18+$0x0] =	vst.idx.add.f32.msk vm1, v22;
	v16 =	vshll.u32 v17, $0x4  }
0x96: {  	v19 =	vsel vm5, $0x45800800, v2;
	vm5 =	vgt.f32 v9, $0.0e+00;
	v17 =	vld [tilespmem:s31+$0x8000];
	v16 =	vor.u32 v3, v16  }
0x97: {  	v14 =	vor.u32 v3, v14;
	v22 =	vmul.f32 $1.500000000e+01, v10;
	[tilespmem:v18+s18+$0x0] =	vst.idx.add.f32.msk vm3, v19;
	v19 =	vsel vm6, $0x45800800, v2  }
0x98: {  	[tilespmem:v15+s18+$0x0] =	vst.idx.add.f32.msk vm2, v19  }
0x99: {  	v19 =	vadd.f32 $5.000000000e-01, v22;
	[tilespmem:v18+s19+$0x0] =	vst.idx.add.f32.msk vm3, v7;
	vm3 =	veq.s32 v12, v11;
	v7 =	vmov v13  }
0x9a: {  	v11 =	vld [tilespmem:s13+$0x8000];
	v12 =	vsel vm3, $0x45800800, v2  }
0x9b: {  	v13 =	vtrunc.f32 v19;
	v18 =	vmul.f32 $1.500000000e+01, v17;
	v19 =	vsel vm0, $0x45800800, v2;
	[tilespmem:v16+s18+$0x0] =	vst.idx.add.f32.msk vm4, v12  }
0x9c: {  	v12 =	vcvt.f32.s32 v13;
	[tilespmem:v14+s18+$0x0] =	vst.idx.add.f32.msk vm5, v19  }
0x9d: {  	v13 =	vmul.f32 $1.500000000e+01, v7;
	v18 =	vadd.f32 $5.000000000e-01, v18;
	[tilespmem:v14+s19+$0x0] =	vst.idx.add.f32.msk vm5, v9  }
0x9e: {  	vm0 =	vgt.f32 v10, $0.0e+00;
	v19 =	vmul.f32 $1.500000000e+01, v21;
	v14 =	vperm.xlane v4, v12;
	[tilespmem:v25+s19+$0x0] =	vst.idx.add.f32.msk vm1, v6;
	v6 =	vmovc v21  }
0x9f: {  	v13 =	vadd.f32 $5.000000000e-01, v13;
	v18 =	vtrunc.f32 v18;
	v21 =	vmul.f32 $1.500000000e+01, v11;
	[tilespmem:v16+s19+$0x0] =	vst.idx.add.f32.msk vm4, v8;
	v8 =	vmovc v20;
	v9 =	vmovc v11  }
0xa0: {  	v11 =	vadd.f32 $5.000000000e-01, v19;
	vm1 =	vle.f32 v10, v14;
	v16 =	vcvt.f32.s32 v18;
	[tilespmem:v15+s19+$0x0] =	vst.idx.add.f32.msk vm2, v5;
	v5 =	vmovc v17  }
0xa1: {  	v13 =	vtrunc.f32 v13;
	v17 =	vld [tilespmem:s2+$0x10010];
	v14 =	vsel vm1, $0xFFFFFFFF, v1;
	v19 =	vadd.f32 $5.000000000e-01, v21  }
0xa2: {  	v18 =	vcvt.f32.s32 v13;
	v11 =	vtrunc.f32 v11;
	v20 =	vld [tilespmem:s2+$0x10];
	v12 =	vadd.s32 v12, v14  }
0xa3: {  	v21 =	vperm.xlane v4, v16;
	v25 =	vcvt.f32.s32 v11;
	v12 =	vshll.u32 v12, $0x4;
	v13 =	vld [tilespmem:s13+$0x10000]  }
0xa4: {  	v22 =	vtrunc.f32 v19;
	v19 =	vmul.f32 $1.500000000e+01, v8;
	v15 =	vor.u32 v3, v12;
	v14 =	vld [tilespmem:s13+$0x0]  }
0xa5: {  	vm1 =	vle.f32 v5, v21;
	v24 =	vperm.xlane v4, v25;
	v11 =	vld [tilespmem:s12+$0x10000]  }
.Ltmp8:
0xa6: {  	v26 =	vperm.xlane v4, v18;
	v21 =	vsel vm1, $0xFFFFFFFF, v1;
	v27 =	vadd.f32 $5.000000000e-01, v19;
	v12 =	vld [tilespmem:s12+$0x0];
	(pc) =	sbr.rel @p2 .LBB2_14-.Ltmp8, $4  }
0xa7: {  	v23 =	vadd.s32 v16, v21;
	v19 =	vld [tilespmem:s2+$0x10000];
	vm1 =	veq.s32 v20, v17;
	v17 =	vcvt.f32.s32 v22  }
0xa8: {  	vm2 =	vle.f32 v7, v26;
	vm3 =	vle.f32 v6, v24;
	v20 =	vtrunc.f32 v27;
	v21 =	vld [tilespmem:s2+$0x0]  }
0xa9: {  	v24 =	vsel vm2, $0xFFFFFFFF, v1;
	v26 =	vsel vm3, $0xFFFFFFFF, v1;
	v22 =	vsel vm1, $0x45800800, v2;
	v16 =	vld [tilespmem:s31+$0x10000]  }
0xaa: {  	s22 =	sadd.s32 $0xC0, s22;
	s24 =	sadd.s32 $0x60, s24;
	v25 =	vadd.s32 v25, v26;
	v20 =	vcvt.f32.s32 v20;
	[tilespmem:v15+s18+$0x0] =	vst.idx.add.f32.msk vm0, v22;
	v22 =	vperm.xlane v4, v17  }
0xab: {  	v52 =	vld [tilespmem:s0+$0x10000]  }
0xac: {  	v18 =	vadd.s32 v18, v24;
	v23 =	vshll.u32 v23, $0x4;
	v26 =	vld [tilespmem:s0+$0x0]  }
0xad: {  	v25 =	vshll.u32 v25, $0x4;
	vm1 =	vgt.f32 v6, $0.0e+00;
	vm4 =	vgt.f32 v7, $0.0e+00  }
0xae: {  	v53 =	vld [tilespmem:s31+$0x0];
	vm5 =	vgt.f32 v5, $0.0e+00;
	v18 =	vshll.u32 v18, $0x4;
	v25 =	vor.u32 v3, v25  }
0xaf: {  	vm12 =	vgt.f32 v9, $0.0e+00;
	v27 =	vperm.xlane v4, v20;
	v18 =	vor.u32 v3, v18  }
0xb0: {  	vm3 =	vle.f32 v9, v22;
	v57 =	vor.u32 v3, v23;
	vm2 =	veq.s32 v21, v19  }
0xb1: {  	v54 =	vsel vm3, $0xFFFFFFFF, v1;
	vm10 =	vle.f32 v8, v27;
	vm11 =	veq.s32 v26, v52  }
0xb2: {  	[tilespmem:v15+s19+$0x0] =	vst.idx.add.f32.msk vm0, v10;
	v17 =	vadd.s32 v17, v54;
	v60 =	vsel vm2, $0x45800800, v2;
	v58 =	vsel vm11, $0x45800800, v2  }
0xb3: {  	v55 =	vsel vm10, $0xFFFFFFFF, v1;
	v17 =	vshll.u32 v17, $0x4;
	vm13 =	veq.s32 v53, v16;
	[tilespmem:v25+s18+$0x0] =	vst.idx.add.f32.msk vm1, v58  }
0xb4: {  	v56 =	vadd.s32 v20, v55;
	v61 =	vor.u32 v3, v17;
	v62 =	vsel vm13, $0x45800800, v2;
	[tilespmem:v18+s18+$0x0] =	vst.idx.add.f32.msk vm4, v60  }
0xb5: {  	vm6 =	vgt.f32 v8, $0.0e+00;
	v20 =	vshll.u32 v56, $0x4;
	[tilespmem:v57+s18+$0x0] =	vst.idx.add.f32.msk vm5, v62  }
0xb6: {  	v59 =	vor.u32 v3, v20;
	[tilespmem:v18+s19+$0x0] =	vst.idx.add.f32.msk vm4, v7  }
0xb7: {  	vm15 =	veq.s32 v14, v13;
	[tilespmem:v25+s19+$0x0] =	vst.idx.add.f32.msk vm1, v6  }
0xb8: {  	v63 =	vsel vm15, $0x45800800, v2;
	[tilespmem:v57+s19+$0x0] =	vst.idx.add.f32.msk vm5, v5  }
0xb9: {  	vm14 =	veq.s32 v12, v11;
	[tilespmem:v61+s18+$0x0] =	vst.idx.add.f32.msk vm12, v63  }
0xba: {  	v7 =	vsel vm14, $0x45800800, v2;
	[tilespmem:v61+s19+$0x0] =	vst.idx.add.f32.msk vm12, v9  }
0xbb: {  	[tilespmem:v59+s18+$0x0] =	vst.idx.add.f32.msk vm6, v7  }
0xbc: {  	[tilespmem:v59+s19+$0x0] =	vst.idx.add.f32.msk vm6, v8  }
.LBB2_16:
0xbd: {  	s0 =	sand.u32 $0x3FFFFF00, s30  }
0xbe: {  	s1 =	sadd.s32 s0, s26  }
0xbf: {  	v5 =	vld [tilespmem:s1+$0x0];
	_ =	sdelay $0x4  }
0xc0: {  	v6 =	vmul.f32 $1.500000000e+01, v5;
	_ =	sdelay $0x1  }
0xc1: {  	v6 =	vadd.f32 $5.000000000e-01, v6;
	_ =	sdelay $0x1  }
0xc2: {  	v6 =	vtrunc.f32 v6  }
0xc3: {  	v6 =	vcvt.f32.s32 v6;
	_ =	sdelay $0x1  }
0xc4: {  	v7 =	vperm.xlane v4, v6;
	_ =	sdelay $0x1  }
0xc5: {  	s31 =	sadd.s32 s0, s28;
	s0 =	sadd.s32 s0, s29;
	vm0 =	vle.f32 v5, v7  }
0xc6: {  	v9 =	vld [tilespmem:s0+$0x0];
	v8 =	vsel vm0, $0xFFFFFFFF, v1  }
0xc7: {  	v7 =	vld [tilespmem:s31+$0x0];
	v6 =	vadd.s32 v6, v8  }
0xc8: {  	vm15 =	vgt.f32 v5, $0.0e+00;
	v6 =	vshll.u32 v6, $0x4  }
0xc9: {  	v6 =	vor.u32 v3, v6  }
0xca: {  	p2 =	sne.s32 s30, $0x7FE0  }
.Ltmp9:
0xcb: {  	_ = 	snop;
	(pc) =	sbr.rel @p2 .LBB2_16-.Ltmp9, $4  }
0xcc: {  	vm1 =	veq.s32 v7, v9  }
0xcd: {  	v7 =	vsel vm1, $0x45800800, v2  }
0xce: {  	s30 =	sadd.s32 $0x20, s30;
	[tilespmem:v6+s18+$0x0] =	vst.idx.add.f32.msk vm15, v7  }
0xcf: {  	s26 =	sadd.s32 $0x10, s26;
	s28 =	sadd.s32 $0x10, s28;
	s29 =	sadd.s32 $0x10, s29;
	[tilespmem:v6+s19+$0x0] =	vst.idx.add.f32.msk vm15, v5  }
0xd0: {  	_ =	swait.ge [sflag:s20], $0x4000  }
0xd1: {  	[sflag:s20] =	ssyncset.done $0x0  }
0xd2: {  	[sflag:s20] =	ssyncadd.s32 $0xFFFFC000  }
0xd3: {  	_ =	swait.ge [sflag:s20], $0x4000  }
0xd4: {  	[sflag:s20] =	ssyncset.done $0x0  }
0xd5: {  	[sflag:s20] =	ssyncadd.s32 $0xFFFFC000  }
0xd6: {  	s0 =	simm.s32 $0x0;
	s1 =	simm.s32 $0x0;
	_ =	swait.ge [sflag:s20], $0x4000  }
0xd7: {  	s1 =	sand.u32 $0x60, s1;
	s0 =	sand.u32 $0x7F00, s0;
	[sflag:s20] =	ssyncset.done $0x0  }
0xd8: {  	s1 =	sor.u32 s1, s0;
	[sflag:s20] =	ssyncadd.s32 $0xFFFFC000  }
0xd9: {  	s22 =	simm.s32 $0x20;
	s2 =	simm.s32 $0x40;
	v10 =	vld [tilespmem:s1+$0x8090]  }
0xda: {  	s23 =	simm.s32 $0x40;
	s2 =	sand.u32 $0xFF00, s2;
	s0 =	sand.u32 $0x60, s22  }
0xdb: {  	s24 =	simm.s32 $0x80;
	s4 =	simm.s32 $0x60;
	s30 =	sor.u32 s2, s0  }
0xdc: {  	s26 =	simm.s32 $0x30;
	s0 =	sand.u32 $0x60, s23;
	s2 =	sand.u32 $0xFF00, s24;
	v5 =	vld [tilespmem:s30+$0x8080]  }
0xdd: {  	s4 =	sand.u32 $0xFF00, s4;
	s0 =	sor.u32 s2, s0;
	s2 =	sand.u32 $0x70, s26;
	v7 =	vld [tilespmem:s1+$0x8080]  }
0xde: {  	s2 =	sor.u32 s4, s2;
	v6 =	vld [tilespmem:s0+$0x8080];
	v8 =	vmul.f32 $1.500000000e+01, v10  }
0xdf: {  	v9 =	vld [tilespmem:s2+$0x8080]  }
0xe0: {  	v8 =	vadd.f32 $5.000000000e-01, v8  }
0xe1: {  	s31 =	simm.s32 $0x50;
	s12 =	simm.s32 $0xA0;
	v11 =	vmul.f32 $1.500000000e+01, v5  }
0xe2: {  	s12 =	sand.u32 $0xFF00, s12;
	s4 =	sand.u32 $0x70, s31;
	v8 =	vtrunc.f32 v8  }
0xe3: {  	s4 =	sor.u32 s12, s4;
	v13 =	vmul.f32 $1.500000000e+01, v7;
	v11 =	vadd.f32 $5.000000000e-01, v11;
	v12 =	vcvt.f32.s32 v8  }
0xe4: {  	v15 =	vmul.f32 $1.500000000e+01, v6;
	v16 =	vmul.f32 $1.500000000e+01, v9;
	v8 =	vld [tilespmem:s4+$0x8080]  }
0xe5: {  	v13 =	vadd.f32 $5.000000000e-01, v13;
	v11 =	vtrunc.f32 v11;
	v14 =	vperm.xlane v4, v12  }
0xe6: {  	v20 =	vld [tilespmem:s1+$0x10090];
	vm0 =	vgt.f32 v10, $0.0e+00;
	v16 =	vadd.f32 $5.000000000e-01, v16;
	v17 =	vcvt.f32.s32 v11  }
0xe7: {  	v21 =	vld [tilespmem:s1+$0x90];
	v11 =	vtrunc.f32 v13;
	vm1 =	vle.f32 v10, v14;
	v14 =	vadd.f32 $5.000000000e-01, v15  }
0xe8: {  	v18 =	vcvt.f32.s32 v11;
	v19 =	vperm.xlane v4, v17;
	v13 =	vsel vm1, $0xFFFFFFFF, v1  }
0xe9: {  	v11 =	vld [tilespmem:s4+$0x10080];
	v22 =	vmul.f32 $1.500000000e+01, v8;
	v12 =	vadd.s32 v12, v13;
	v14 =	vtrunc.f32 v14  }
0xea: {  	vm1 =	vle.f32 v5, v19;
	v19 =	vld [tilespmem:s1+$0x10080];
	v12 =	vshll.u32 v12, $0x4;
	v25 =	vcvt.f32.s32 v14  }
0xeb: {  	v26 =	vperm.xlane v4, v18;
	v13 =	vld [tilespmem:s2+$0x10080];
	v23 =	vsel vm1, $0xFFFFFFFF, v1;
	v15 =	vor.u32 v3, v12  }
0xec: {  	vm1 =	veq.s32 v21, v20;
	v21 =	vld [tilespmem:s1+$0x80];
	v22 =	vadd.f32 $5.000000000e-01, v22;
	v24 =	vperm.xlane v4, v25  }
0xed: {  	v16 =	vtrunc.f32 v16;
	vm2 =	vle.f32 v7, v26;
	v14 =	vld [tilespmem:s2+$0x80];
	v23 =	vadd.s32 v17, v23  }
0xee: {  	v17 =	vcvt.f32.s32 v16;
	v16 =	vld [tilespmem:s30+$0x10080];
	v20 =	vtrunc.f32 v22;
	vm3 =	vle.f32 v6, v24  }
0xef: {  	s28 =	simm.s32 $0xC0;
	s29 =	simm.s32 $0x100C0;
	s22 =	simm.s32 $0xC0;
	v12 =	vld [tilespmem:s4+$0x80];
	v22 =	vsel vm1, $0x45800800, v2;
	v20 =	vcvt.f32.s32 v20;
	v26 =	vsel vm3, $0xFFFFFFFF, v1  }
0xf0: {  	s24 =	simm.s32 $0xB0;
	s26 =	simm.s32 $0x80C0;
	s1 =	simm.s32 $0x0;
	v24 =	vsel vm2, $0xFFFFFFFF, v1;
	[tilespmem:v15+s18+$0x0] =	vst.idx.add.f32.msk vm0, v22;
	v22 =	vperm.xlane v4, v17;
	v25 =	vadd.s32 v25, v26  }
.LBB2_18:
0xf1: {  	s2 =	sadd.s32 $0xFFFFFFB0, s24;
	s4 =	sadd.s32 $0xFFFFFFF0, s24;
	s12 =	sadd.s32 $0x80, s22;
	v18 =	vadd.s32 v18, v24;
	v23 =	vshll.u32 v23, $0x4;
	v24 =	vld [tilespmem:s0+$0x10080];
	v25 =	vshll.u32 v25, $0x4  }
0xf2: {  	s13 =	sand.u32 $0x70, s24;
	s2 =	sand.u32 $0x60, s2;
	s4 =	sand.u32 $0x60, s4;
	v18 =	vshll.u32 v18, $0x4;
	v26 =	vld [tilespmem:s0+$0x80];
	v25 =	vor.u32 v3, v25;
	v27 =	vperm.xlane v4, v20  }
0xf3: {  	s15 =	sadd.s32 $0xFFFFFFD0, s24;
	vm1 =	vgt.f32 v6, $0.0e+00;
	s0 =	sand.u32 $0x7F00, s22;
	s12 =	sand.u32 $0xFF00, s12;
	v18 =	vor.u32 v3, v18;
	[tilespmem:v15+s19+$0x0] =	vst.idx.add.f32.msk vm0, v10;
	v15 =	vor.u32 v3, v23  }
0xf4: {  	s21 =	sadd.s32 $0x60, s22;
	vm2 =	vle.f32 v9, v22;
	s2 =	sor.u32 s2, s0;
	s0 =	sor.u32 s12, s4;
	vm5 =	veq.s32 v21, v19;
	vm0 =	veq.s32 v14, v13;
	v19 =	vld [tilespmem:s30+$0x80]  }
0xf5: {  	vm3 =	vgt.f32 v7, $0.0e+00;
	s4 =	sand.u32 $0x60, s15;
	s12 =	sadd.s32 $0x40, s22;
	s15 =	sadd.s32 $0xA0, s22;
	v14 =	vsel vm2, $0xFFFFFFFF, v1;
	vm4 =	vle.f32 v8, v27;
	v13 =	vld [tilespmem:s2+$0x8080]  }
0xf6: {  	vm2 =	vgt.f32 v5, $0.0e+00;
	s23 =	sand.u32 $0xFF00, s12;
	s12 =	sadd.s32 $0xFFFFFFE0, s24;
	s15 =	sand.u32 $0xFF00, s15;
	v14 =	vadd.s32 v17, v14;
	v17 =	vsel vm4, $0xFFFFFFFF, v1;
	v10 =	vld [tilespmem:s2+$0x8090]  }
0xf7: {  	s21 =	sand.u32 $0xFF00, s21;
	s31 =	sand.u32 $0x70, s12;
	s12 =	sor.u32 s15, s13;
	v14 =	vshll.u32 v14, $0x4;
	v17 =	vadd.s32 v20, v17;
	v21 =	vld [tilespmem:s0+$0x8080];
	vm4 =	veq.s32 v26, v24  }
0xf8: {  	s1 =	sadd.s32 $0x6, s1;
	s30 =	sor.u32 s23, s4;
	s13 =	sor.u32 s21, s31;
	v20 =	vld [tilespmem:s12+$0x8080];
	v22 =	vsel vm4, $0x45800800, v2  }
0xf9: {  	p2 =	slt.u32 s1, $0x3F6;
	vm4 =	vgt.f32 v8, $0.0e+00;
	vm6 =	veq.s32 v19, v16;
	[tilespmem:v25+s18+$0x0] =	vst.idx.add.f32.msk vm1, v22;
	v16 =	vshll.u32 v17, $0x4  }
0xfa: {  	v19 =	vsel vm5, $0x45800800, v2;
	vm5 =	vgt.f32 v9, $0.0e+00;
	v17 =	vld [tilespmem:s30+$0x8080];
	v16 =	vor.u32 v3, v16  }
0xfb: {  	v14 =	vor.u32 v3, v14;
	v22 =	vmul.f32 $1.500000000e+01, v10;
	[tilespmem:v18+s18+$0x0] =	vst.idx.add.f32.msk vm3, v19;
	v19 =	vsel vm6, $0x45800800, v2  }
0xfc: {  	[tilespmem:v15+s18+$0x0] =	vst.idx.add.f32.msk vm2, v19  }
0xfd: {  	v19 =	vadd.f32 $5.000000000e-01, v22;
	[tilespmem:v18+s19+$0x0] =	vst.idx.add.f32.msk vm3, v7;
	vm3 =	veq.s32 v12, v11;
	v7 =	vmov v13  }
0xfe: {  	v11 =	vld [tilespmem:s13+$0x8080];
	v12 =	vsel vm3, $0x45800800, v2  }
0xff: {  	v13 =	vtrunc.f32 v19;
	v18 =	vmul.f32 $1.500000000e+01, v17;
	v19 =	vsel vm0, $0x45800800, v2;
	[tilespmem:v16+s18+$0x0] =	vst.idx.add.f32.msk vm4, v12  }
0x100: {  	v12 =	vcvt.f32.s32 v13;
	[tilespmem:v14+s18+$0x0] =	vst.idx.add.f32.msk vm5, v19  }
0x101: {  	v13 =	vmul.f32 $1.500000000e+01, v7;
	v18 =	vadd.f32 $5.000000000e-01, v18;
	[tilespmem:v14+s19+$0x0] =	vst.idx.add.f32.msk vm5, v9  }
0x102: {  	vm0 =	vgt.f32 v10, $0.0e+00;
	v19 =	vmul.f32 $1.500000000e+01, v21;
	v14 =	vperm.xlane v4, v12;
	[tilespmem:v25+s19+$0x0] =	vst.idx.add.f32.msk vm1, v6;
	v6 =	vmovc v21  }
0x103: {  	v13 =	vadd.f32 $5.000000000e-01, v13;
	v18 =	vtrunc.f32 v18;
	v21 =	vmul.f32 $1.500000000e+01, v11;
	[tilespmem:v16+s19+$0x0] =	vst.idx.add.f32.msk vm4, v8;
	v8 =	vmovc v20;
	v9 =	vmovc v11  }
0x104: {  	v11 =	vadd.f32 $5.000000000e-01, v19;
	vm1 =	vle.f32 v10, v14;
	v16 =	vcvt.f32.s32 v18;
	[tilespmem:v15+s19+$0x0] =	vst.idx.add.f32.msk vm2, v5;
	v5 =	vmovc v17  }
0x105: {  	v13 =	vtrunc.f32 v13;
	v17 =	vld [tilespmem:s2+$0x10090];
	v14 =	vsel vm1, $0xFFFFFFFF, v1;
	v19 =	vadd.f32 $5.000000000e-01, v21  }
0x106: {  	v18 =	vcvt.f32.s32 v13;
	v11 =	vtrunc.f32 v11;
	v20 =	vld [tilespmem:s2+$0x90];
	v12 =	vadd.s32 v12, v14  }
0x107: {  	v21 =	vperm.xlane v4, v16;
	v25 =	vcvt.f32.s32 v11;
	v12 =	vshll.u32 v12, $0x4;
	v13 =	vld [tilespmem:s13+$0x10080]  }
0x108: {  	v22 =	vtrunc.f32 v19;
	v19 =	vmul.f32 $1.500000000e+01, v8;
	v15 =	vor.u32 v3, v12;
	v14 =	vld [tilespmem:s13+$0x80]  }
0x109: {  	vm1 =	vle.f32 v5, v21;
	v24 =	vperm.xlane v4, v25;
	v11 =	vld [tilespmem:s12+$0x10080]  }
.Ltmp10:
0x10a: {  	v26 =	vperm.xlane v4, v18;
	v21 =	vsel vm1, $0xFFFFFFFF, v1;
	v27 =	vadd.f32 $5.000000000e-01, v19;
	v12 =	vld [tilespmem:s12+$0x80];
	(pc) =	sbr.rel @p2 .LBB2_18-.Ltmp10, $4  }
0x10b: {  	v23 =	vadd.s32 v16, v21;
	v19 =	vld [tilespmem:s2+$0x10080];
	vm1 =	veq.s32 v20, v17;
	v17 =	vcvt.f32.s32 v22  }
0x10c: {  	vm2 =	vle.f32 v7, v26;
	vm3 =	vle.f32 v6, v24;
	v20 =	vtrunc.f32 v27;
	v21 =	vld [tilespmem:s2+$0x80]  }
0x10d: {  	v24 =	vsel vm2, $0xFFFFFFFF, v1;
	v26 =	vsel vm3, $0xFFFFFFFF, v1;
	v22 =	vsel vm1, $0x45800800, v2;
	v16 =	vld [tilespmem:s30+$0x10080]  }
0x10e: {  	s22 =	sadd.s32 $0xC0, s22;
	s24 =	sadd.s32 $0x60, s24;
	v25 =	vadd.s32 v25, v26;
	v20 =	vcvt.f32.s32 v20;
	s2 =	simm.s32 $0x7F80;
	[tilespmem:v15+s18+$0x0] =	vst.idx.add.f32.msk vm0, v22;
	v22 =	vperm.xlane v4, v17  }
0x10f: {  	v52 =	vld [tilespmem:s0+$0x10080]  }
0x110: {  	v18 =	vadd.s32 v18, v24;
	v23 =	vshll.u32 v23, $0x4;
	v26 =	vld [tilespmem:s0+$0x80]  }
0x111: {  	v25 =	vshll.u32 v25, $0x4;
	vm1 =	vgt.f32 v6, $0.0e+00;
	vm4 =	vgt.f32 v7, $0.0e+00  }
0x112: {  	v53 =	vld [tilespmem:s30+$0x80];
	vm5 =	vgt.f32 v5, $0.0e+00;
	v18 =	vshll.u32 v18, $0x4;
	v25 =	vor.u32 v3, v25  }
0x113: {  	vm12 =	vgt.f32 v9, $0.0e+00;
	v27 =	vperm.xlane v4, v20;
	v18 =	vor.u32 v3, v18  }
0x114: {  	vm3 =	vle.f32 v9, v22;
	v57 =	vor.u32 v3, v23;
	vm2 =	veq.s32 v21, v19  }
0x115: {  	v54 =	vsel vm3, $0xFFFFFFFF, v1;
	vm10 =	vle.f32 v8, v27;
	vm11 =	veq.s32 v26, v52  }
0x116: {  	[tilespmem:v15+s19+$0x0] =	vst.idx.add.f32.msk vm0, v10;
	v17 =	vadd.s32 v17, v54;
	v60 =	vsel vm2, $0x45800800, v2;
	v58 =	vsel vm11, $0x45800800, v2  }
0x117: {  	v55 =	vsel vm10, $0xFFFFFFFF, v1;
	v17 =	vshll.u32 v17, $0x4;
	vm13 =	veq.s32 v53, v16;
	[tilespmem:v25+s18+$0x0] =	vst.idx.add.f32.msk vm1, v58  }
0x118: {  	v56 =	vadd.s32 v20, v55;
	v61 =	vor.u32 v3, v17;
	v62 =	vsel vm13, $0x45800800, v2;
	[tilespmem:v18+s18+$0x0] =	vst.idx.add.f32.msk vm4, v60  }
0x119: {  	vm6 =	vgt.f32 v8, $0.0e+00;
	v20 =	vshll.u32 v56, $0x4;
	[tilespmem:v57+s18+$0x0] =	vst.idx.add.f32.msk vm5, v62  }
0x11a: {  	v59 =	vor.u32 v3, v20;
	[tilespmem:v18+s19+$0x0] =	vst.idx.add.f32.msk vm4, v7  }
0x11b: {  	vm15 =	veq.s32 v14, v13;
	[tilespmem:v25+s19+$0x0] =	vst.idx.add.f32.msk vm1, v6  }
0x11c: {  	v63 =	vsel vm15, $0x45800800, v2;
	[tilespmem:v57+s19+$0x0] =	vst.idx.add.f32.msk vm5, v5  }
0x11d: {  	vm14 =	veq.s32 v12, v11;
	[tilespmem:v61+s18+$0x0] =	vst.idx.add.f32.msk vm12, v63  }
0x11e: {  	v7 =	vsel vm14, $0x45800800, v2;
	[tilespmem:v61+s19+$0x0] =	vst.idx.add.f32.msk vm12, v9  }
0x11f: {  	[tilespmem:v59+s18+$0x0] =	vst.idx.add.f32.msk vm6, v7  }
0x120: {  	[tilespmem:v59+s19+$0x0] =	vst.idx.add.f32.msk vm6, v8  }
.LBB2_20:
0x121: {  	s0 =	sand.u32 $0x3FFFFF00, s2  }
0x122: {  	s1 =	sadd.s32 s0, s26  }
0x123: {  	v5 =	vld [tilespmem:s1+$0x0];
	_ =	sdelay $0x4  }
0x124: {  	v6 =	vmul.f32 $1.500000000e+01, v5;
	_ =	sdelay $0x1  }
0x125: {  	v6 =	vadd.f32 $5.000000000e-01, v6;
	_ =	sdelay $0x1  }
0x126: {  	v6 =	vtrunc.f32 v6  }
0x127: {  	v6 =	vcvt.f32.s32 v6;
	_ =	sdelay $0x1  }
0x128: {  	v7 =	vperm.xlane v4, v6;
	_ =	sdelay $0x1  }
0x129: {  	s31 =	sadd.s32 s0, s28;
	s0 =	sadd.s32 s0, s29;
	vm0 =	vle.f32 v5, v7  }
0x12a: {  	v9 =	vld [tilespmem:s0+$0x0];
	v8 =	vsel vm0, $0xFFFFFFFF, v1  }
0x12b: {  	v7 =	vld [tilespmem:s31+$0x0];
	v6 =	vadd.s32 v6, v8  }
0x12c: {  	vm15 =	vgt.f32 v5, $0.0e+00;
	v6 =	vshll.u32 v6, $0x4  }
0x12d: {  	v6 =	vor.u32 v3, v6  }
0x12e: {  	p2 =	sne.s32 s2, $0x7FE0  }
.Ltmp11:
0x12f: {  	_ = 	snop;
	(pc) =	sbr.rel @p2 .LBB2_20-.Ltmp11, $4  }
0x130: {  	vm1 =	veq.s32 v7, v9  }
0x131: {  	s1 =	simm.s32 $0x18080;
	v7 =	vsel vm1, $0x45800800, v2  }
0x132: {  	s2 =	sadd.s32 $0x20, s2;
	s0 =	simm.s32 $0x18180;
	[tilespmem:v6+s1+$0x0] =	vst.idx.add.f32.msk vm15, v7  }
0x133: {  	s26 =	sadd.s32 $0x10, s26;
	s28 =	sadd.s32 $0x10, s28;
	s29 =	sadd.s32 $0x10, s29;
	[tilespmem:v6+s0+$0x0] =	vst.idx.add.f32.msk vm15, v5  }
0x134: {  	v4 =	vld [tilespmem:s1+$0x0];
	_ =	sdelay $0x4  }
0x135: {  	v5 =	vmul.f32 $2.441406250e-04, v4;
	_ =	sdelay $0x1  }
0x136: {  	v5 =	vtrunc.f32 v5  }
0x137: {  	s29 =	simm.s32 $0x18090;
	v5 =	vcvt.f32.s32 v5  }
0x138: {  	v7 =	vld [tilespmem:s29+$0x0]  }
0x139: {  	v5 =	vcvt.s32.f32 v5;
	_ =	sdelay $0x1  }
0x13a: {  	v6 =	vmul.f32 $-4.096000000e+03, v5  }
0x13b: {  	s30 =	simm.s32 $0x180A0;
	(xrf2) =	vadd.scan.msk.f32 $0xffff, v5  }
0x13c: {  	v5 =	vmul.f32 $2.441406250e-04, v7;
	v4 =	vadd.f32 v6, v4;
	v6 =	vld [tilespmem:s30+$0x0];
	_ =	sdelay $0x1  }
0x13d: {  	v5 =	vtrunc.f32 v5  }
0x13e: {  	(xrf2) =	vadd.scan.msk.f32 $0xffff, v4;
	v4 =	vcvt.f32.s32 v5  }
0x13f: {  	v5 =	vld [tilespmem:s0+$0x0]  }
0x140: {  	v8 =	vcvt.s32.f32 v4;
	v9 =	vmul.f32 $2.441406250e-04, v6;
	_ =	sdelay $0x1  }
0x141: {  	v4 =	vmul.f32 $-4.096000000e+03, v8;
	_ =	sdelay $0x1  }
0x142: {  	v7 =	vadd.f32 v4, v7;
	v4 =	vtrunc.f32 v9;
	v9, _, _ =	vpop (xrf2);
	(xrf2) =	vadd.scan.msk.f32 $0xffff, v5;
	_ =	sdelay $0x2  }
0x143: {  	s4 =	simm.s32 $0x18190;
	v11 =	vbroadcast v9, $0xF;
	(xrf2) =	vadd.scan.msk.f32 $0xffff, v8  }
0x144: {  	s31 =	simm.s32 $0x0;
	v9 =	vld [tilespmem:s4+$0x0]  }
0x145: {  	s13 =	simm.s32 $0x180B0;
	v10 =	vmov s31;
	v5 =	vcvt.f32.s32 v4  }
0x146: {  	s2 =	simm.s32 $0x1;
	s1 =	simm.s32 $0x2;
	vm0 =	veq.s32 v10, v3;
	v4 =	vimm.f32 $0.0e+00;
	v8 =	vld [tilespmem:s13+$0x0];
	(xrf2) =	vadd.scan.msk.f32 $0xffff, v7  }
0x147: {  	s22 =	simm.s32 $0x4;
	s12 =	simm.s32 $0x181A0;
	s0 =	simm.s32 $0x3;
	v10 =	vcvt.s32.f32 v5;
	v7 =	vimm.f32 $0.0e+00;
	v5 =	vsel vm0, v11, v4;
	v11, _, _ =	vpop (xrf2)  }
.LBB2_22:
0x148: {  	p2 =	sne.s32 s22, $0xE;
	v12 =	vld [tilespmem:s12+$0x0];
	v11 =	vbroadcast v11, $0xF;
	s4 =	smov.u32 s22;
	s22 =	sadd.s32 $0x1, s22  }
0x149: {  	v13 =	vmul.f32 $-4.096000000e+03, v10;
	(xrf2) =	vadd.scan.msk.f32 $0xffff, v9  }
0x14a: {  	v4 =	vsel vm0, v11, v4;
	v9, _, _ =	vpop (xrf2)  }
0x14b: {  	v11 =	vmul.f32 $2.441406250e-04, v8;
	v13 =	vadd.f32 v13, v6;
	v14 =	vbroadcast v9, $0xF;
	v6 =	vmovc v8  }
.Ltmp12:
0x14c: {  	(xrf2) =	vadd.scan.msk.f32 $0xffff, v10;
	(pc) =	sbr.rel @p2 .LBB2_22-.Ltmp12, $4  }
0x14d: {  	v8 =	vtrunc.f32 v11;
	v10, _, _ =	vpop (xrf2);
	v7 =	vsel vm0, v14, v7;
	v9 =	vmov v12  }
0x14e: {  	s13 =	sadd.s32 $0x10, s13;
	v12 =	vmov s2;
	s2 =	smov.u32 s1;
	s1 =	smov.u32 s0;
	v15 =	vcvt.f32.s32 v8;
	v14 =	vbroadcast v10, $0xF  }
0x14f: {  	s0 =	smov.u32 s4;
	vm0 =	veq.s32 v12, v3;
	v8 =	vld [tilespmem:s13+$0x0];
	(xrf2) =	vadd.scan.msk.f32 $0xffff, v13  }
0x150: {  	s12 =	sadd.s32 $0x10, s12;
	v10 =	vcvt.s32.f32 v15;
	v5 =	vsel vm0, v14, v5;
	v11, _, _ =	vpop (xrf2)  }
0x151: {  	_ =	sdelay $0x2  }
0x152: {  	v12 =	vmul.f32 $2.441406250e-04, v8;
	_ =	sdelay $0x1  }
0x153: {  	v12 =	vtrunc.f32 v12  }
0x154: {  	v12 =	vcvt.f32.s32 v12  }
0x155: {  	v13 =	vld [tilespmem:s12+$0x0];
	v14 =	vmul.f32 $-4.096000000e+03, v10  }
0x156: {  	v12 =	vcvt.s32.f32 v12  }
0x157: {  	(xrf2) =	vadd.scan.msk.f32 $0xffff, v9;
	s4 =	sadd.s32 $0x10, s12;
	v6 =	vadd.f32 v14, v6  }
0x158: {  	(xrf2) =	vadd.scan.msk.f32 $0xffff, v10;
	v43 =	vld [tilespmem:s4+$0x0];
	v44 =	vmul.f32 $-4.096000000e+03, v12  }
0x159: {  	(xrf2) =	vadd.scan.msk.f32 $0xffff, v6  }
0x15a: {  	(xrf2) =	vadd.scan.msk.f32 $0xffff, v13;
	v45 =	vadd.f32 v44, v8  }
0x15b: {  	(xrf2) =	vadd.scan.msk.f32 $0xffff, v12  }
0x15c: {  	(xrf2) =	vadd.scan.msk.f32 $0xffff, v45  }
0x15d: {  	(xrf2) =	vadd.scan.msk.f32 $0xffff, v43  }
0x15e: {  	v46, _, _ =	vpop (xrf2)  }
0x15f: {  	v47, _, _ =	vpop (xrf2)  }
0x160: {  	v48 =	vbroadcast v11, $0xF;
	v49, _, _ =	vpop (xrf2)  }
0x161: {  	v51 =	vmov s2;
	v55 =	vmov s1;
	v59 =	vmov s0;
	v50, _, _ =	vpop (xrf2)  }
0x162: {  	vm1 =	veq.s32 v51, v3;
	vm14 =	veq.s32 v55, v3;
	v6 =	vbroadcast v46, $0xF;
	v52, _, _ =	vpop (xrf2)  }
0x163: {  	vm15 =	veq.s32 v59, v3;
	v53 =	vbroadcast v49, $0xF;
	v11 =	vbroadcast v50, $0xF;
	v54, _, _ =	vpop (xrf2)  }
0x164: {  	v4 =	vsel vm0, v48, v4;
	v6 =	vsel vm0, v6, v7;
	v8 =	vbroadcast v47, $0xF;
	v56, _, _ =	vpop (xrf2)  }
0x165: {  	v4 =	vsel vm1, v53, v4;
	v12 =	vbroadcast v52, $0xF;
	v6 =	vsel vm1, v11, v6;
	v57, _, _ =	vpop (xrf2)  }
0x166: {  	v5 =	vsel vm1, v8, v5;
	v58 =	vbroadcast v54, $0xF;
	v8 =	vbroadcast v57, $0xF;
	v60, _, _ =	vpop (xrf2)  }
0x167: {  	v5 =	vsel vm14, v12, v5;
	v7 =	vbroadcast v56, $0xF;
	v61 =	vbroadcast v60, $0xF;
	v62, _, _ =	vpop (xrf2)  }
0x168: {  	v4 =	vsel vm14, v58, v4;
	v5 =	vsel vm15, v8, v5;
	v63 =	vbroadcast v62, $0xF  }
0x169: {  	v6 =	vsel vm14, v7, v6;
	[tilespmem:$0x18280] =	vst v5;
	v4 =	vsel vm15, v61, v4  }
0x16a: {  	v5 =	vsel vm15, v63, v6;
	[tilespmem:$0x18290] =	vst v4  }
0x16b: {  	s31 =	simm.s32 $0x18280;
	[tilespmem:$0x182A0] =	vst v5  }
0x16c: {  	[spmem:s11] =	stream.linear.scatter [tilespmem:s31], [sflag:$0x4], $0x30, $0x38;
	[tilespmem:$0x18730] =	vst v63  }
.Ltmp13:
0x16d: {  	_ =	swait.ge [sflag:s16], $0x30;
	(pc) =	sbr.rel @p0 .LBB2_25-.Ltmp13, $3  }
0x16e: {  	[sflag:s16] =	ssyncset.done $0x0  }
0x16f: {  	[sflag:s16] =	ssyncadd.s32 $0xFFFFFFD0  }
0x170: {  	[bflag:$0x0] =	sbarrier.arrive $0xFFFF;
	_ =	sdelay $0x1  }
0x171: {  	s0 =	rddreg [dreg:$0x5];
	s1 =	simm.s32 $0x18330  }
0x172: {  	[tilespmem:s1], [sflag:$0x4] =	stream.linear.gather [spmem:s0], $0x300, $0x38;
	[tilespmem:$0x18730] =	vst v63  }
0x173: {  	_ =	swait.ge [sflag:s16], $0x300  }
0x174: {  	[sflag:s16] =	ssyncset.done $0x0  }
0x175: {  	[sflag:s16] =	ssyncadd.s32 $0xFFFFFD00  }
0x176: {  	v4 =	vld [tilespmem:$0x18330]  }
0x177: {  	v5 =	vld [tilespmem:$0x18340]  }
0x178: {  	v6 =	vld [tilespmem:$0x18350]  }
0x179: {  	v7 =	vld [tilespmem:$0x18360]  }
0x17a: {  	v8 =	vld [tilespmem:$0x18370]  }
0x17b: {  	v9 =	vld [tilespmem:$0x18380]  }
0x17c: {  	v10 =	vld [tilespmem:$0x18390]  }
0x17d: {  	v11 =	vld [tilespmem:$0x183A0]  }
0x17e: {  	v12 =	vld [tilespmem:$0x183B0]  }
0x17f: {  	v13 =	vld [tilespmem:$0x183C0]  }
0x180: {  	v14 =	vld [tilespmem:$0x183D0]  }
0x181: {  	v15 =	vld [tilespmem:$0x183E0]  }
0x182: {  	v16 =	vld [tilespmem:$0x183F0]  }
0x183: {  	v17 =	vld [tilespmem:$0x18400]  }
0x184: {  	v18 =	vld [tilespmem:$0x18410]  }
0x185: {  	v19 =	vld [tilespmem:$0x18420]  }
0x186: {  	v20 =	vld [tilespmem:$0x18430]  }
0x187: {  	v21 =	vld [tilespmem:$0x18440]  }
0x188: {  	v22 =	vld [tilespmem:$0x18450]  }
0x189: {  	v23 =	vld [tilespmem:$0x18460]  }
0x18a: {  	v24 =	vld [tilespmem:$0x18470];
	v4 =	vadd.f32 $0.0e+00, v4  }
0x18b: {  	v25 =	vld [tilespmem:$0x18480];
	v5 =	vadd.f32 $0.0e+00, v5  }
0x18c: {  	v33 =	vld [tilespmem:$0x18490];
	v6 =	vadd.f32 $0.0e+00, v6;
	v4 =	vadd.f32 v7, v4  }
0x18d: {  	v34 =	vld [tilespmem:$0x184A0];
	v5 =	vadd.f32 v8, v5  }
0x18e: {  	v35 =	vld [tilespmem:$0x184B0];
	v6 =	vadd.f32 v9, v6;
	v4 =	vadd.f32 v10, v4  }
0x18f: {  	v36 =	vld [tilespmem:$0x184C0];
	v5 =	vadd.f32 v11, v5  }
0x190: {  	v37 =	vld [tilespmem:$0x184D0];
	v6 =	vadd.f32 v12, v6;
	v4 =	vadd.f32 v13, v4  }
0x191: {  	v38 =	vld [tilespmem:$0x184E0];
	v5 =	vadd.f32 v14, v5  }
0x192: {  	v39 =	vld [tilespmem:$0x184F0];
	v6 =	vadd.f32 v15, v6;
	v4 =	vadd.f32 v16, v4  }
0x193: {  	v40 =	vld [tilespmem:$0x18500];
	v5 =	vadd.f32 v17, v5  }
0x194: {  	v41 =	vld [tilespmem:$0x18510];
	v6 =	vadd.f32 v18, v6;
	v4 =	vadd.f32 v19, v4  }
0x195: {  	v42 =	vld [tilespmem:$0x18520];
	v5 =	vadd.f32 v20, v5  }
0x196: {  	v43 =	vld [tilespmem:$0x18530];
	v6 =	vadd.f32 v21, v6;
	v4 =	vadd.f32 v22, v4  }
0x197: {  	v44 =	vld [tilespmem:$0x18540];
	v5 =	vadd.f32 v23, v5  }
0x198: {  	v45 =	vld [tilespmem:$0x18550];
	v6 =	vadd.f32 v24, v6;
	v4 =	vadd.f32 v25, v4  }
0x199: {  	v46 =	vld [tilespmem:$0x18560];
	v5 =	vadd.f32 v33, v5  }
0x19a: {  	v47 =	vld [tilespmem:$0x18570];
	v6 =	vadd.f32 v34, v6;
	v4 =	vadd.f32 v35, v4  }
0x19b: {  	v48 =	vld [tilespmem:$0x18580];
	v5 =	vadd.f32 v36, v5  }
0x19c: {  	v49 =	vld [tilespmem:$0x18590];
	v6 =	vadd.f32 v37, v6;
	v4 =	vadd.f32 v38, v4  }
0x19d: {  	v50 =	vld [tilespmem:$0x185A0];
	v5 =	vadd.f32 v39, v5  }
0x19e: {  	v51 =	vld [tilespmem:$0x185B0];
	v6 =	vadd.f32 v40, v6;
	v4 =	vadd.f32 v41, v4  }
0x19f: {  	v52 =	vld [tilespmem:$0x185C0];
	v5 =	vadd.f32 v42, v5  }
0x1a0: {  	v53 =	vld [tilespmem:$0x185D0];
	v6 =	vadd.f32 v43, v6;
	v4 =	vadd.f32 v44, v4  }
0x1a1: {  	v54 =	vld [tilespmem:$0x185E0];
	v5 =	vadd.f32 v45, v5  }
0x1a2: {  	v55 =	vld [tilespmem:$0x185F0];
	v6 =	vadd.f32 v46, v6;
	v4 =	vadd.f32 v47, v4  }
0x1a3: {  	v56 =	vld [tilespmem:$0x18600];
	v5 =	vadd.f32 v48, v5  }
0x1a4: {  	v57 =	vld [tilespmem:$0x18610];
	v6 =	vadd.f32 v49, v6;
	v4 =	vadd.f32 v50, v4  }
0x1a5: {  	v58 =	vld [tilespmem:$0x18620];
	v5 =	vadd.f32 v51, v5  }
0x1a6: {  	v6 =	vadd.f32 v52, v6;
	v4 =	vadd.f32 v53, v4  }
0x1a7: {  	v5 =	vadd.f32 v54, v5  }
0x1a8: {  	v6 =	vadd.f32 v55, v6;
	v4 =	vadd.f32 v56, v4  }
0x1a9: {  	v5 =	vadd.f32 v57, v5  }
0x1aa: {  	v6 =	vadd.f32 v58, v6;
	[tilespmem:$0x18280] =	vst v4  }
0x1ab: {  	[tilespmem:$0x18290] =	vst v5  }
0x1ac: {  	s28 =	simm.s32 $0x18280;
	s26 =	rddreg [dreg:$0x8];
	[tilespmem:$0x182A0] =	vst v6  }
0x1ad: {  	[hbm4b:s26+s3] =	stream.linear.scatter [tilespmem:s28], [sflag:$0x4], $0x30, $0x38;
	[tilespmem:$0x18730] =	vst v63  }
0x1ae: {  	_ =	swait.ge [sflag:s16], $0x30  }
0x1af: {  	[sflag:s16] =	ssyncset.done $0x0  }
0x1b0: {  	s29 =	simm.s32 $0x3;
	[sflag:s16] =	ssyncadd.s32 $0xFFFFFFD0  }
0x1b1: {  	[sflag:s29] =	ssyncadd.s32 $0x1  }
0x1b2: {  	_ =	swait.ge [sflag:s29], $0x1  }
0x1b3: {  	[sflag:s29] =	ssyncset.done $0x0  }
0x1b4: {  	s31 =	simm.s32 $0x18630;
	s30 =	rddreg [dreg:$0x9];
	[sflag:s29] =	ssyncadd.s32 $0xFFFFFFFF  }
0x1b5: {  	[tilespmem:s31], [sflag:$0x4] =	stream.linear.gather [hbm4b:s30+s3], $0x30, $0x38;
	[tilespmem:$0x18730] =	vst v63  }
0x1b6: {  	_ =	swait.ge [sflag:s16], $0x30  }
0x1b7: {  	[sflag:s16] =	ssyncset.done $0x0  }
0x1b8: {  	[sflag:s16] =	ssyncadd.s32 $0xFFFFFFD0  }
0x1b9: {  	v59 =	vld [tilespmem:$0x18630];
	_ =	sdelay $0x4  }
0x1ba: {  	v4 =	vadd.f32 v59, v4;
	_ =	sdelay $0x1  }
0x1bb: {  	vm0 =	vgt.f32 v4, $0.0e+00  }
0x1bc: {  	v7 =	vnsel vm0, $0x3F800000, v4  }
0x1bd: {  	(erf) = vrcp.f32 v7;
	_ =	sdelay $0x1  }
0x1be: {  	v60 =	vld [tilespmem:$0x18640]  }
0x1bf: {  	v61 =	vld [tilespmem:$0x18650];
	_ =	sdelay $0x4  }
0x1c0: {  	v5 =	vadd.f32 v60, v5;
	v6 =	vadd.f32 v61, v6  }
0x1c1: {  	v62 =	vpop (erf)  }
0x1c2: {  	v63 =	vmul.f32 v62, v5;
	v7 =	vmul.f32 v62, v6;
	_ =	sdelay $0x1  }
0x1c3: {  	v5 =	vsel vm0, v63, v5;
	v6 =	vsel vm0, v7, v6  }
0x1c4: {  	v5 =	vsub.f32 v5, v6;
	_ =	sdelay $0x1  }
0x1c5: {  	v5 =	vand.u32 $0x7FFFFFFF, v5  }
0x1c6: {  	v5 =	vmul.f32 v5, v4;
	_ =	sdelay $0x1  }
0x1c7: {  	(xrf2) =	vadd.scan.msk.f32 $0xffff, v5  }
0x1c8: {  	(xrf2) =	vadd.scan.msk.f32 $0xffff, v4;
	_ =	sdelay $0x8  }
0x1c9: {  	v4, _, _ =	vpop (xrf2)  }
0x1ca: {  	v5, _, _ =	vpop (xrf2)  }
0x1cb: {  	v5 =	vbroadcast v5, $0xF;
	_ =	sdelay $0x1  }
0x1cc: {  	(erf) = vrcp.f32 v5;
	_ =	sdelay $0x7  }
0x1cd: {  	v4 =	vbroadcast v4, $0xF  }
0x1ce: {  	v5 =	vpop (erf)  }
0x1cf: {  	v4 =	vmul.f32 v4, v5;
	_ =	sdelay $0x1  }
0x1d0: {  	s0 =	simm.s32 @!p1 $0x0;
	s1 =	simm.s32 @!p1 $0x186B0;
	s2 =	rddreg [dreg:$0x4];
	[tilespmem:$0x186B0] =	vst v4  }
0x1d1: {  	[hbm4b:s2+s0] =	stream.linear.scatter @!p1 [tilespmem:s1], [sflag:$0x4], $0x80, $0x38;
	[tilespmem:$0x18730] =	vst v63  }
.Ltmp14:
0x1d2: {  	_ = 	snop;
	(pc) =	sbr.rel .LBB2_25-.Ltmp14, $4  }
0x1d3: {  	s0 =	simm.s32 @!p1 $0x4  }
0x1d4: {  	_ =	swait.ge @!p1 [sflag:s0], $0x80  }
0x1d5: {  	[sflag:s0] =	ssyncset.done @!p1 $0x0  }
0x1d6: {  	[sflag:s0] =	ssyncadd.s32 @!p1 $0xFFFFFF80  }
.LBB2_26:
0x1d7: {  	_ =	sfence.sel $0x180000  }
0x1d8: {  	[bflag:$0x0] =	sbarrier.arrive $0xFFFF  }
0x1d9: {  	_ =	strace $0x90000047  }
0x1da: {  	[bflag:$0x2] =	sbarrier.arrive $0xFFFF  }
0x1db: {  	s0 =	rddreg [dreg:$0x6]  }
0x1dc: {  	s0 =	sadd.s32 @!p0 $0x100000, s0  }
0x1dd: {  	[sflag:s0] =	ssyncadd.tile.s32 @!p0 $0x1;
	_ =	shalt  }
.Lfunc_end2:
_tile_overlayer_lowered:
.L_overlay_start_2:
0x1de: {  	(tag) =	ssettag $0x2  }
0x1df: {  	s0 =	rddreg [dreg:$0x0];
	s2 =	stileid.u32  }
0x1e0: {  	s1 =	rddreg [dreg:$0x1];
	p0 =	sne.s32 s2, $0x0  }
0x1e1: {  	s3 =	rddreg [dreg:$0x2];
	[bflag:$0x3] =	sbarrier.arrive $0xFFFF;
	s2 =	simm.s32 @!p0 $0x1C04  }
0x1e2: {  	[timem:s3], [sflag:s2] =	dma.local @!p0 [hbm:s0], s1  }
0x1e3: {  	s0 =	simm.s32 @!p0 $0x4  }
0x1e4: {  	_ =	swait.ge @!p0 [sflag:s0], s1  }
0x1e5: {  	s1 =	ssub.s32 @!p0 $0x0, s1;
	[sflag:s0] =	ssyncset.done @!p0 $0x0  }
0x1e6: {  	[sflag:s0] =	ssyncadd.s32 @!p0 s1  }
0x1e7: {  	[bflag:$0x3] =	sbarrier.arrive $0xFFFF  }
0x1e8: {  	_ =	shalt  }

</sc_bundles>
